<compile_context>
chip_gen: v7x
topology: tpu7x:2x2x1
jax: 0.10.2.dev20260603
libtpu: 0.0.44.dev20260713+nightly
codegen_flags: <defaults>
</compile_context>

<pallas_src>
import functools

import jax
import jax.numpy as jnp
from jax import lax
from jax.experimental import pallas as pl
from jax.experimental.pallas import tpu as pltpu
from jax.experimental.pallas import tpu_sc as plsc

_B, _S, _D = 1, 2048, 1024
_E, _K, _F, _R = 8, 2, 512, 8
_T = _B * _S
_TILE = 256
_NT = (_T * _K) // _TILE + _E
_NSLOT = _NT * _TILE
_CH = 256
_NC, _NS = 2, 16
_NW = _NC * _NS
_TPW = _T // _NW


def _dispatch_body(x16_ref, wr_ref, posa_ref, posb_ref, wpair_ref,
                   te_ref, nact_ref):
    logits = jax.lax.dot_general(
        x16_ref[...], wr_ref[...].astype(jnp.bfloat16),
        (((1,), (1,)), ((), ())),
        preferred_element_type=jnp.float32)
    m = jnp.max(logits, axis=-1, keepdims=True)
    p = jnp.exp(logits - m)
    p = p / jnp.sum(p, axis=-1, keepdims=True)
    lane = jax.lax.broadcasted_iota(jnp.int32, (_T, _E), 1)
    p1 = jnp.max(p, axis=-1, keepdims=True)
    i1 = jnp.min(jnp.where(p == p1, lane, _E), axis=-1, keepdims=True)
    m1 = lane == i1
    pr = jnp.where(m1, -1.0, p)
    p2 = jnp.max(pr, axis=-1, keepdims=True)
    i2 = jnp.min(jnp.where(pr == p2, lane, _E), axis=-1, keepdims=True)
    m2 = lane == i2
    denom = p1 + p2
    wpair_ref[:, 0:1] = p1 / denom
    wpair_ref[:, 1:2] = p2 / denom

    d = (m1 | m2).astype(jnp.bfloat16)
    rsub = jax.lax.broadcasted_iota(jnp.int32, (_CH, _CH), 0)
    csub = jax.lax.broadcasted_iota(jnp.int32, (_CH, _CH), 1)
    ls = (csub < rsub).astype(jnp.bfloat16)
    off = jnp.zeros((1, _E), jnp.float32)
    rparts = []
    for c in range(_T // _CH):
        dc = d[c * _CH:(c + 1) * _CH, :]
        rc = jax.lax.dot_general(ls, dc, (((1,), (0,)), ((), ())),
                                 preferred_element_type=jnp.float32)
        rparts.append(rc + off)
        off = off + jnp.sum(dc.astype(jnp.float32), axis=0, keepdims=True)
    rk = jnp.concatenate(rparts, axis=0)

    cnt = off
    rs = ((cnt.astype(jnp.int32) + (_TILE - 1)) // _TILE * _TILE)
    rs_f = rs.astype(jnp.float32)
    er = jax.lax.broadcasted_iota(jnp.int32, (_E, _E), 0)
    ec = jax.lax.broadcasted_iota(jnp.int32, (_E, _E), 1)
    umask = (er < ec).astype(jnp.float32)
    sp = jax.lax.dot_general(rs_f, umask, (((1,), (0,)), ((), ())),
                             preferred_element_type=jnp.float32,
                             precision=jax.lax.Precision.HIGHEST)

    spb = sp + rk
    posa_ref[...] = jnp.sum(jnp.where(m1, spb, 0.0), axis=-1,
                            keepdims=True).astype(jnp.int32)
    posb_ref[...] = jnp.sum(jnp.where(m2, spb, 0.0), axis=-1,
                            keepdims=True).astype(jnp.int32)

    trow = jax.lax.broadcasted_iota(jnp.int32, (128, _E), 0) * _TILE
    te_ref[...] = (jnp.sum((trow >= sp.astype(jnp.int32)).astype(jnp.int32),
                           axis=-1, keepdims=True) - 1)
    nact_ref[...] = jnp.sum(rs, axis=-1, keepdims=True) // _TILE


def _sc_scatter_body(x_hbm, posa_hbm, posb_hbm, xs_hbm,
                     idxa_v, idxb_v, rows_v, sem):
    wid = lax.axis_index("s") * _NC + lax.axis_index("c")
    base = wid * _TPW
    pltpu.sync_copy(posa_hbm.at[pl.ds(base, _TPW)], idxa_v)
    pltpu.sync_copy(posb_hbm.at[pl.ds(base, _TPW)], idxb_v)
    pltpu.sync_copy(x_hbm.at[pl.ds(base, _TPW)], rows_v)
    pltpu.async_copy(rows_v, xs_hbm.at[idxa_v], sem).wait()
    pltpu.async_copy(rows_v, xs_hbm.at[idxb_v], sem).wait()


def _grouped_body(te_ref, nact_ref, xs_ref, wg_ref, wu_ref, wd_ref,
                  ag_ref, bg_ref, au_ref, bu_ref, ad_ref, bd_ref,
                  ys_ref, wgu_s, wdm_s):
    j = pl.program_id(0)
    te_prev = te_ref[jnp.maximum(j - 1, 0)]

    @pl.when((j == 0) | (te_ref[j] != te_prev))
    def _merge():
        def merged(w, b_, a_):
            lo = jax.lax.dot_general(b_, a_, (((1,), (0,)), ((), ())),
                                     preferred_element_type=jnp.float32)
            return (w + lo).astype(jnp.bfloat16)

        wgu_s[0:_F, :] = merged(wg_ref[0], bg_ref[0], ag_ref[0])
        wgu_s[_F:2 * _F, :] = merged(wu_ref[0], bu_ref[0], au_ref[0])
        wdm_s[...] = merged(wd_ref[0], bd_ref[0], ad_ref[0])

    @pl.when(j < nact_ref[0])
    def _compute():
        xb = xs_ref[...].astype(jnp.bfloat16)
        gu = jax.lax.dot_general(xb, wgu_s[...], (((1,), (1,)), ((), ())),
                                 preferred_element_type=jnp.float32)
        g = gu[:, :_F]
        u = gu[:, _F:]
        h = (g * (1.0 / (1.0 + jnp.exp(-g))) * u).astype(jnp.bfloat16)
        ys_ref[...] = jax.lax.dot_general(h, wdm_s[...],
                                          (((1,), (1,)), ((), ())),
                                          preferred_element_type=jnp.float32)


def _sc_gather_body(ys_hbm, posa_hbm, posb_hbm, ya_hbm, yb_hbm,
                    idx_v, rows_v, sem):
    wid = lax.axis_index("s") * _NC + lax.axis_index("c")
    base = wid * _TPW
    pltpu.sync_copy(posa_hbm.at[pl.ds(base, _TPW)], idx_v)
    pltpu.async_copy(ys_hbm.at[idx_v], rows_v, sem).wait()
    pltpu.sync_copy(rows_v, ya_hbm.at[pl.ds(base, _TPW)])
    pltpu.sync_copy(posb_hbm.at[pl.ds(base, _TPW)], idx_v)
    pltpu.async_copy(ys_hbm.at[idx_v], rows_v, sem).wait()
    pltpu.sync_copy(rows_v, yb_hbm.at[pl.ds(base, _TPW)])


def _combine_body(ya_ref, yb_ref, wp_ref, out_ref):
    out_ref[...] = (wp_ref[:, 0:1] * ya_ref[...]
                    + wp_ref[:, 1:2] * yb_ref[...])


def _dispatch(x16, Wr, interpret=False):
    return pl.pallas_call(
        _dispatch_body,
        grid=(1,),
        in_specs=[pl.BlockSpec((_T, _D), lambda i: (0, 0)),
                  pl.BlockSpec((_E, _D), lambda i: (0, 0))],
        out_specs=[pl.BlockSpec((_T, 1), lambda i: (0, 0)),
                   pl.BlockSpec((_T, 1), lambda i: (0, 0)),
                   pl.BlockSpec((_T, 2), lambda i: (0, 0)),
                   pl.BlockSpec((128, 1), lambda i: (0, 0)),
                   pl.BlockSpec((1, 1), lambda i: (0, 0))],
        out_shape=[jax.ShapeDtypeStruct((_T, 1), jnp.int32),
                   jax.ShapeDtypeStruct((_T, 1), jnp.int32),
                   jax.ShapeDtypeStruct((_T, 2), jnp.float32),
                   jax.ShapeDtypeStruct((128, 1), jnp.int32),
                   jax.ShapeDtypeStruct((1, 1), jnp.int32)],
        interpret=interpret,
    )(x16, Wr)


def _grouped(te, nact, xs, Wg, Wu, Wd, Ag, Bg, Au, Bu, Ad, Bd,
             interpret=False):
    grid_spec = pltpu.PrefetchScalarGridSpec(
        num_scalar_prefetch=2,
        grid=(_NT,),
        in_specs=[
            pl.BlockSpec((_TILE, _D), lambda j, te_r, na_r: (j, 0)),
            pl.BlockSpec((1, _F, _D), lambda j, te_r, na_r: (te_r[j], 0, 0)),
            pl.BlockSpec((1, _F, _D), lambda j, te_r, na_r: (te_r[j], 0, 0)),
            pl.BlockSpec((1, _D, _F), lambda j, te_r, na_r: (te_r[j], 0, 0)),
            pl.BlockSpec((1, _R, _D), lambda j, te_r, na_r: (te_r[j], 0, 0)),
            pl.BlockSpec((1, _F, _R), lambda j, te_r, na_r: (te_r[j], 0, 0)),
            pl.BlockSpec((1, _R, _D), lambda j, te_r, na_r: (te_r[j], 0, 0)),
            pl.BlockSpec((1, _F, _R), lambda j, te_r, na_r: (te_r[j], 0, 0)),
            pl.BlockSpec((1, _R, _F), lambda j, te_r, na_r: (te_r[j], 0, 0)),
            pl.BlockSpec((1, _D, _R), lambda j, te_r, na_r: (te_r[j], 0, 0)),
        ],
        out_specs=pl.BlockSpec((_TILE, _D), lambda j, te_r, na_r: (j, 0)),
        scratch_shapes=[pltpu.VMEM((2 * _F, _D), jnp.bfloat16),
                        pltpu.VMEM((_D, _F), jnp.bfloat16)],
    )
    return pl.pallas_call(
        _grouped_body,
        grid_spec=grid_spec,
        out_shape=jax.ShapeDtypeStruct((_NSLOT, _D), jnp.float32),
        interpret=interpret,
    )(te, nact, xs, Wg, Wu, Wd, Ag, Bg, Au, Bu, Ad, Bd)


def _combine(ya, yb, wpair, interpret=False):
    return pl.pallas_call(
        _combine_body,
        grid=(4,),
        in_specs=[pl.BlockSpec((_T // 4, _D), lambda i: (i, 0)),
                  pl.BlockSpec((_T // 4, _D), lambda i: (i, 0)),
                  pl.BlockSpec((_T // 4, 2), lambda i: (i, 0))],
        out_specs=pl.BlockSpec((_T // 4, _D), lambda i: (i, 0)),
        out_shape=jax.ShapeDtypeStruct((_T, _D), jnp.float32),
        interpret=interpret,
    )(ya, yb, wpair)


@functools.lru_cache(maxsize=None)
def _sc_kernels():
    mesh = plsc.VectorSubcoreMesh(core_axis_name="c", subcore_axis_name="s")
    scatter = functools.partial(
        pl.kernel, mesh=mesh,
        out_type=jax.ShapeDtypeStruct((_NSLOT, _D), jnp.float32),
        scratch_types=[pltpu.VMEM((_TPW,), jnp.int32),
                       pltpu.VMEM((_TPW,), jnp.int32),
                       pltpu.VMEM((_TPW, _D), jnp.float32),
                       pltpu.SemaphoreType.DMA],
    )(_sc_scatter_body)
    gather = functools.partial(
        pl.kernel, mesh=mesh,
        out_type=(jax.ShapeDtypeStruct((_T, _D), jnp.float32),
                  jax.ShapeDtypeStruct((_T, _D), jnp.float32)),
        scratch_types=[pltpu.VMEM((_TPW,), jnp.int32),
                       pltpu.VMEM((_TPW, _D), jnp.float32),
                       pltpu.SemaphoreType.DMA],
    )(_sc_gather_body)
    return scatter, gather


@jax.jit
def kernel(hidden_states, Wr, Wg, Wu, Wd, Ag, Bg, Au, Bu, Ad, Bd):
    x = hidden_states.reshape(_T, _D)
    x16 = x.astype(jnp.bfloat16)

    posa, posb, wpair, te, nact = _dispatch(x16, Wr)
    posa1 = posa.reshape(_T)
    posb1 = posb.reshape(_T)

    sc_scatter, sc_gather = _sc_kernels()
    xs = sc_scatter(x, posa1, posb1)
    ys = _grouped(te.reshape(128), nact.reshape(1), xs,
                  Wg, Wu, Wd, Ag, Bg, Au, Bu, Ad, Bd)
    ya, yb = sc_gather(ys, posa1, posb1)
    y = _combine(ya, yb, wpair)
    return y.reshape(_B, _S, _D)

# --- scband reference (transcript-rebuilt; emitter-appended) ---
"""Pipeline reference for scband-ktmo-elayer-wrapper-19464791785734 (READ-ONLY COPY).

The authoritative reference and input builder live on the scoring server;
editing this copy changes nothing except your own understanding.
"""

import jax, jax.numpy as jnp
import numpy as np

B, S, D = 1, 2048, 1024
E, K, F, R = 8, 2, 512, 8


def setup_inputs(seed: int = 0) -> dict:
    key = jax.random.key(seed)
    ks = jax.random.split(key, 12)
    s = 0.02
    return {
        "hidden_states": jax.random.normal(ks[0], (B, S, D), dtype=jnp.float32),
        "Wr": jax.random.normal(ks[1], (E, D), dtype=jnp.float32) * s,
        "Wg": jax.random.normal(ks[2], (E, F, D), dtype=jnp.float32) * s,
        "Wu": jax.random.normal(ks[3], (E, F, D), dtype=jnp.float32) * s,
        "Wd": jax.random.normal(ks[4], (E, D, F), dtype=jnp.float32) * s,
        "Ag": jax.random.normal(ks[5], (E, R, D), dtype=jnp.float32) * s,
        "Bg": jax.random.normal(ks[6], (E, F, R), dtype=jnp.float32) * s,
        "Au": jax.random.normal(ks[7], (E, R, D), dtype=jnp.float32) * s,
        "Bu": jax.random.normal(ks[8], (E, F, R), dtype=jnp.float32) * s,
        "Ad": jax.random.normal(ks[9], (E, R, F), dtype=jnp.float32) * s,
        "Bd": jax.random.normal(ks[10], (E, D, R), dtype=jnp.float32) * s,
    }


def reference(hidden_states, Wr, Wg, Wu, Wd, Ag, Bg, Au, Bu, Ad, Bd):
    b, s, d = hidden_states.shape
    x = hidden_states.reshape(-1, d)
    T = x.shape[0]
    # Router: linear -> softmax (fp32) -> top-k -> renormalize (router_type == 'linear' path)
    router_logits = x @ Wr.T
    routing_weights = jax.nn.softmax(router_logits.astype(jnp.float32), axis=-1)
    topk_weights, topk_ids = jax.lax.top_k(routing_weights, K)
    topk_weights = topk_weights / jnp.sum(topk_weights, axis=-1, keepdims=True)
    # Dense combine matrix [T, E] (scatter of routing weights by expert id)
    combine = jnp.zeros((T, E), jnp.float32).at[jnp.arange(T)[:, None], topk_ids].add(topk_weights)
    # Expert MLPs with LoRA-merged weights: down(silu(gate(x)) * up(x))
    def expert(e):
        Wg_e = Wg[e] + Bg[e] @ Ag[e]
        Wu_e = Wu[e] + Bu[e] @ Au[e]
        Wd_e = Wd[e] + Bd[e] @ Ad[e]
        g = x @ Wg_e.T
        u = x @ Wu_e.T
        h = jax.nn.silu(g) * u
        return h @ Wd_e.T
    outs = jax.vmap(expert)(jnp.arange(E))  # [E, T, D]
    y = jnp.einsum('te,etd->td', combine, outs)
    return y.reshape(b, s, d)

if __name__ == "__main__":
    import jax
    _d = setup_inputs()
    print(jax.jit(kernel)(*tuple(_d.values())))

</pallas_src>

<mosaic_0001>
#map = affine_map<(d0, d1) -> (0, 0)>
#map1 = affine_map<(d0, d1) -> (0)>
module attributes {stable_mosaic.version = 14 : i64} {
  func.func @_sc_scatter_body(%arg0: i32, %arg1: i32, %arg2: memref<2048x1024xf32, #tpu.memory_space<hbm>>, %arg3: memref<2048xi32, #tpu.memory_space<hbm>>, %arg4: memref<2048xi32, #tpu.memory_space<hbm>>, %arg5: memref<6144x1024xf32, #tpu.memory_space<hbm>>, %arg6: memref<64xi32, #tpu.memory_space<vmem>>, %arg7: memref<64xi32, #tpu.memory_space<vmem>>, %arg8: memref<64x1024xf32, #tpu.memory_space<vmem>>, %arg9: memref<!tpu.dma_semaphore, #tpu.memory_space<semaphore_mem>>) attributes {dimension_semantics = [#tpu.dimension_semantics<core_parallel>, #tpu.dimension_semantics<subcore_parallel>], iteration_bounds = array<i64: 2, 16>, scalar_prefetch = 0 : i64, scratch_operands = 4 : i64, tpu.core_type = #tpu.core_type<sc_vector_subcore>, window_params = [{transform_indices = #map}, {transform_indices = #map1}, {transform_indices = #map1}, {transform_indices = #map}]} {
    %mul3A = arith.constant 2 : i32
    %mul3A_0 = arith.muli %arg1, %mul3A : i32
    %add3A = arith.addi %mul3A_0, %arg0 : i32
    %mul3A_1 = arith.constant 64 : i32
    %mul3A_2 = arith.muli %add3A, %mul3A_1 : i32
    "tpu.region"() ({
      %run_scoped3A = tpu.sem_alloc : memref<!tpu.dma_semaphore, #tpu.memory_space<semaphore_mem>>
      %dma_start3A_13 = tpu.memref_slice %arg3[%mul3A_2] : memref<2048xi32, #tpu.memory_space<hbm>> -> memref<64xi32, #tpu.memory_space<hbm>>
      %dma_start3A_14 = tpu.memref_slice %arg3[%mul3A_2] : memref<2048xi32, #tpu.memory_space<hbm>> -> memref<64xi32, #tpu.memory_space<hbm>>
      tpu.enqueue_dma source(%dma_start3A_14 : memref<64xi32, #tpu.memory_space<hbm>>) target(%arg6 : memref<64xi32, #tpu.memory_space<vmem>>) target_semaphore(%run_scoped3A : memref<!tpu.dma_semaphore, #tpu.memory_space<semaphore_mem>>)
      %dma_wait3A_15 = tpu.memref_slice %arg3[%mul3A_2] : memref<2048xi32, #tpu.memory_space<hbm>> -> memref<64xi32, #tpu.memory_space<hbm>>
      %dma_wait3A_16 = tpu.memref_slice %arg3[%mul3A_2] : memref<2048xi32, #tpu.memory_space<hbm>> -> memref<64xi32, #tpu.memory_space<hbm>>
      tpu.wait_dma2 semaphore(%run_scoped3A : memref<!tpu.dma_semaphore, #tpu.memory_space<semaphore_mem>>) src(%dma_wait3A_16 : memref<64xi32, #tpu.memory_space<hbm>>) dst(%arg6 : memref<64xi32, #tpu.memory_space<vmem>>)
      tpu.yield
    }) : () -> ()
    "tpu.region"() ({
      %run_scoped3A = tpu.sem_alloc : memref<!tpu.dma_semaphore, #tpu.memory_space<semaphore_mem>>
      %dma_start3A_13 = tpu.memref_slice %arg4[%mul3A_2] : memref<2048xi32, #tpu.memory_space<hbm>> -> memref<64xi32, #tpu.memory_space<hbm>>
      %dma_start3A_14 = tpu.memref_slice %arg4[%mul3A_2] : memref<2048xi32, #tpu.memory_space<hbm>> -> memref<64xi32, #tpu.memory_space<hbm>>
      tpu.enqueue_dma source(%dma_start3A_14 : memref<64xi32, #tpu.memory_space<hbm>>) target(%arg7 : memref<64xi32, #tpu.memory_space<vmem>>) target_semaphore(%run_scoped3A : memref<!tpu.dma_semaphore, #tpu.memory_space<semaphore_mem>>)
      %dma_wait3A_15 = tpu.memref_slice %arg4[%mul3A_2] : memref<2048xi32, #tpu.memory_space<hbm>> -> memref<64xi32, #tpu.memory_space<hbm>>
      %dma_wait3A_16 = tpu.memref_slice %arg4[%mul3A_2] : memref<2048xi32, #tpu.memory_space<hbm>> -> memref<64xi32, #tpu.memory_space<hbm>>
      tpu.wait_dma2 semaphore(%run_scoped3A : memref<!tpu.dma_semaphore, #tpu.memory_space<semaphore_mem>>) src(%dma_wait3A_16 : memref<64xi32, #tpu.memory_space<hbm>>) dst(%arg7 : memref<64xi32, #tpu.memory_space<vmem>>)
      tpu.yield
    }) : () -> ()
    "tpu.region"() ({
      %run_scoped3A = tpu.sem_alloc : memref<!tpu.dma_semaphore, #tpu.memory_space<semaphore_mem>>
      %dma_start3A_13 = arith.constant 0 : i32
      %dma_start3A_14 = tpu.memref_slice %arg2[%mul3A_2, %dma_start3A_13] : memref<2048x1024xf32, #tpu.memory_space<hbm>> -> memref<64x1024xf32, #tpu.memory_space<hbm>>
      %dma_start3A_15 = arith.constant 0 : i32
      %dma_start3A_16 = tpu.memref_slice %arg2[%mul3A_2, %dma_start3A_15] : memref<2048x1024xf32, #tpu.memory_space<hbm>> -> memref<64x1024xf32, #tpu.memory_space<hbm>>
      tpu.enqueue_dma source(%dma_start3A_16 : memref<64x1024xf32, #tpu.memory_space<hbm>>) target(%arg8 : memref<64x1024xf32, #tpu.memory_space<vmem>>) target_semaphore(%run_scoped3A : memref<!tpu.dma_semaphore, #tpu.memory_space<semaphore_mem>>)
      %dma_wait3A_17 = arith.constant 0 : i32
      %dma_wait3A_18 = tpu.memref_slice %arg2[%mul3A_2, %dma_wait3A_17] : memref<2048x1024xf32, #tpu.memory_space<hbm>> -> memref<64x1024xf32, #tpu.memory_space<hbm>>
      %dma_wait3A_19 = arith.constant 0 : i32
      %dma_wait3A_20 = tpu.memref_slice %arg2[%mul3A_2, %dma_wait3A_19] : memref<2048x1024xf32, #tpu.memory_space<hbm>> -> memref<64x1024xf32, #tpu.memory_space<hbm>>
      tpu.wait_dma2 semaphore(%run_scoped3A : memref<!tpu.dma_semaphore, #tpu.memory_space<semaphore_mem>>) src(%dma_wait3A_20 : memref<64x1024xf32, #tpu.memory_space<hbm>>) dst(%arg8 : memref<64x1024xf32, #tpu.memory_space<vmem>>)
      tpu.yield
    }) : () -> ()
    %dma_start3A = arith.constant 0 : i32
    %dma_start3A_3 = arith.constant 0 : i32
    %dma_start3A_4 = tpu.memref_slice %arg5[%dma_start3A, %dma_start3A_3] : memref<6144x1024xf32, #tpu.memory_space<hbm>> -> memref<6144x1024xf32, #tpu.memory_space<hbm>>
    tpu.enqueue_indirect_dma source(%arg8 : memref<64x1024xf32, #tpu.memory_space<vmem>>) target(%dma_start3A_4 : memref<6144x1024xf32, #tpu.memory_space<hbm>>) offsets(%arg6 : memref<64xi32, #tpu.memory_space<vmem>>) semaphore(%arg9 : memref<!tpu.dma_semaphore, #tpu.memory_space<semaphore_mem>>)
    %dma_wait3A = arith.constant 0 : i32
    %dma_wait3A_5 = arith.constant 0 : i32
    %dma_wait3A_6 = tpu.memref_slice %arg5[%dma_wait3A, %dma_wait3A_5] : memref<6144x1024xf32, #tpu.memory_space<hbm>> -> memref<6144x1024xf32, #tpu.memory_space<hbm>>
    tpu.wait_indirect_dma semaphore(%arg9 : memref<!tpu.dma_semaphore, #tpu.memory_space<semaphore_mem>>) src(%arg8 : memref<64x1024xf32, #tpu.memory_space<vmem>>) dst(%dma_wait3A_6 : memref<6144x1024xf32, #tpu.memory_space<hbm>>)
    %dma_start3A_7 = arith.constant 0 : i32
    %dma_start3A_8 = arith.constant 0 : i32
    %dma_start3A_9 = tpu.memref_slice %arg5[%dma_start3A_7, %dma_start3A_8] : memref<6144x1024xf32, #tpu.memory_space<hbm>> -> memref<6144x1024xf32, #tpu.memory_space<hbm>>
    tpu.enqueue_indirect_dma source(%arg8 : memref<64x1024xf32, #tpu.memory_space<vmem>>) target(%dma_start3A_9 : memref<6144x1024xf32, #tpu.memory_space<hbm>>) offsets(%arg7 : memref<64xi32, #tpu.memory_space<vmem>>) semaphore(%arg9 : memref<!tpu.dma_semaphore, #tpu.memory_space<semaphore_mem>>)
    %dma_wait3A_10 = arith.constant 0 : i32
    %dma_wait3A_11 = arith.constant 0 : i32
    %dma_wait3A_12 = tpu.memref_slice %arg5[%dma_wait3A_10, %dma_wait3A_11] : memref<6144x1024xf32, #tpu.memory_space<hbm>> -> memref<6144x1024xf32, #tpu.memory_space<hbm>>
    tpu.wait_indirect_dma semaphore(%arg9 : memref<!tpu.dma_semaphore, #tpu.memory_space<semaphore_mem>>) src(%arg8 : memref<64x1024xf32, #tpu.memory_space<vmem>>) dst(%dma_wait3A_12 : memref<6144x1024xf32, #tpu.memory_space<hbm>>)
    return
  }
}

#map = affine_map<(d0, d1) -> (0, 0)>
#map1 = affine_map<(d0, d1) -> (0)>
module attributes {stable_mosaic.version = 14 : i64} {
  func.func @_sc_gather_body(%arg0: i32, %arg1: i32, %arg2: memref<6144x1024xf32, #tpu.memory_space<hbm>>, %arg3: memref<2048xi32, #tpu.memory_space<hbm>>, %arg4: memref<2048xi32, #tpu.memory_space<hbm>>, %arg5: memref<2048x1024xf32, #tpu.memory_space<hbm>>, %arg6: memref<2048x1024xf32, #tpu.memory_space<hbm>>, %arg7: memref<64xi32, #tpu.memory_space<vmem>>, %arg8: memref<64x1024xf32, #tpu.memory_space<vmem>>, %arg9: memref<!tpu.dma_semaphore, #tpu.memory_space<semaphore_mem>>) attributes {dimension_semantics = [#tpu.dimension_semantics<core_parallel>, #tpu.dimension_semantics<subcore_parallel>], iteration_bounds = array<i64: 2, 16>, scalar_prefetch = 0 : i64, scratch_operands = 3 : i64, tpu.core_type = #tpu.core_type<sc_vector_subcore>, window_params = [{transform_indices = #map}, {transform_indices = #map1}, {transform_indices = #map1}, {transform_indices = #map}, {transform_indices = #map}]} {
    %mul3A = arith.constant 2 : i32
    %mul3A_0 = arith.muli %arg1, %mul3A : i32
    %add3A = arith.addi %mul3A_0, %arg0 : i32
    %mul3A_1 = arith.constant 64 : i32
    %mul3A_2 = arith.muli %add3A, %mul3A_1 : i32
    "tpu.region"() ({
      %run_scoped3A = tpu.sem_alloc : memref<!tpu.dma_semaphore, #tpu.memory_space<semaphore_mem>>
      %dma_start3A_13 = tpu.memref_slice %arg3[%mul3A_2] : memref<2048xi32, #tpu.memory_space<hbm>> -> memref<64xi32, #tpu.memory_space<hbm>>
      %dma_start3A_14 = tpu.memref_slice %arg3[%mul3A_2] : memref<2048xi32, #tpu.memory_space<hbm>> -> memref<64xi32, #tpu.memory_space<hbm>>
      tpu.enqueue_dma source(%dma_start3A_14 : memref<64xi32, #tpu.memory_space<hbm>>) target(%arg7 : memref<64xi32, #tpu.memory_space<vmem>>) target_semaphore(%run_scoped3A : memref<!tpu.dma_semaphore, #tpu.memory_space<semaphore_mem>>)
      %dma_wait3A_15 = tpu.memref_slice %arg3[%mul3A_2] : memref<2048xi32, #tpu.memory_space<hbm>> -> memref<64xi32, #tpu.memory_space<hbm>>
      %dma_wait3A_16 = tpu.memref_slice %arg3[%mul3A_2] : memref<2048xi32, #tpu.memory_space<hbm>> -> memref<64xi32, #tpu.memory_space<hbm>>
      tpu.wait_dma2 semaphore(%run_scoped3A : memref<!tpu.dma_semaphore, #tpu.memory_space<semaphore_mem>>) src(%dma_wait3A_16 : memref<64xi32, #tpu.memory_space<hbm>>) dst(%arg7 : memref<64xi32, #tpu.memory_space<vmem>>)
      tpu.yield
    }) : () -> ()
    %dma_start3A = arith.constant 0 : i32
    %dma_start3A_3 = arith.constant 0 : i32
    %dma_start3A_4 = tpu.memref_slice %arg2[%dma_start3A, %dma_start3A_3] : memref<6144x1024xf32, #tpu.memory_space<hbm>> -> memref<6144x1024xf32, #tpu.memory_space<hbm>>
    tpu.enqueue_indirect_dma source(%dma_start3A_4 : memref<6144x1024xf32, #tpu.memory_space<hbm>>) target(%arg8 : memref<64x1024xf32, #tpu.memory_space<vmem>>) offsets(%arg7 : memref<64xi32, #tpu.memory_space<vmem>>) semaphore(%arg9 : memref<!tpu.dma_semaphore, #tpu.memory_space<semaphore_mem>>)
    %dma_wait3A = arith.constant 0 : i32
    %dma_wait3A_5 = arith.constant 0 : i32
    %dma_wait3A_6 = tpu.memref_slice %arg2[%dma_wait3A, %dma_wait3A_5] : memref<6144x1024xf32, #tpu.memory_space<hbm>> -> memref<6144x1024xf32, #tpu.memory_space<hbm>>
    tpu.wait_indirect_dma semaphore(%arg9 : memref<!tpu.dma_semaphore, #tpu.memory_space<semaphore_mem>>) src(%dma_wait3A_6 : memref<6144x1024xf32, #tpu.memory_space<hbm>>) dst(%arg8 : memref<64x1024xf32, #tpu.memory_space<vmem>>)
    "tpu.region"() ({
      %run_scoped3A = tpu.sem_alloc : memref<!tpu.dma_semaphore, #tpu.memory_space<semaphore_mem>>
      %dma_start3A_13 = arith.constant 0 : i32
      %dma_start3A_14 = tpu.memref_slice %arg5[%mul3A_2, %dma_start3A_13] : memref<2048x1024xf32, #tpu.memory_space<hbm>> -> memref<64x1024xf32, #tpu.memory_space<hbm>>
      %dma_start3A_15 = arith.constant 0 : i32
      %dma_start3A_16 = tpu.memref_slice %arg5[%mul3A_2, %dma_start3A_15] : memref<2048x1024xf32, #tpu.memory_space<hbm>> -> memref<64x1024xf32, #tpu.memory_space<hbm>>
      tpu.enqueue_dma source(%arg8 : memref<64x1024xf32, #tpu.memory_space<vmem>>) target(%dma_start3A_16 : memref<64x1024xf32, #tpu.memory_space<hbm>>) target_semaphore(%run_scoped3A : memref<!tpu.dma_semaphore, #tpu.memory_space<semaphore_mem>>)
      %dma_wait3A_17 = arith.constant 0 : i32
      %dma_wait3A_18 = tpu.memref_slice %arg5[%mul3A_2, %dma_wait3A_17] : memref<2048x1024xf32, #tpu.memory_space<hbm>> -> memref<64x1024xf32, #tpu.memory_space<hbm>>
      %dma_wait3A_19 = arith.constant 0 : i32
      %dma_wait3A_20 = tpu.memref_slice %arg5[%mul3A_2, %dma_wait3A_19] : memref<2048x1024xf32, #tpu.memory_space<hbm>> -> memref<64x1024xf32, #tpu.memory_space<hbm>>
      tpu.wait_dma2 semaphore(%run_scoped3A : memref<!tpu.dma_semaphore, #tpu.memory_space<semaphore_mem>>) src(%arg8 : memref<64x1024xf32, #tpu.memory_space<vmem>>) dst(%dma_wait3A_20 : memref<64x1024xf32, #tpu.memory_space<hbm>>)
      tpu.yield
    }) : () -> ()
    "tpu.region"() ({
      %run_scoped3A = tpu.sem_alloc : memref<!tpu.dma_semaphore, #tpu.memory_space<semaphore_mem>>
      %dma_start3A_13 = tpu.memref_slice %arg4[%mul3A_2] : memref<2048xi32, #tpu.memory_space<hbm>> -> memref<64xi32, #tpu.memory_space<hbm>>
      %dma_start3A_14 = tpu.memref_slice %arg4[%mul3A_2] : memref<2048xi32, #tpu.memory_space<hbm>> -> memref<64xi32, #tpu.memory_space<hbm>>
      tpu.enqueue_dma source(%dma_start3A_14 : memref<64xi32, #tpu.memory_space<hbm>>) target(%arg7 : memref<64xi32, #tpu.memory_space<vmem>>) target_semaphore(%run_scoped3A : memref<!tpu.dma_semaphore, #tpu.memory_space<semaphore_mem>>)
      %dma_wait3A_15 = tpu.memref_slice %arg4[%mul3A_2] : memref<2048xi32, #tpu.memory_space<hbm>> -> memref<64xi32, #tpu.memory_space<hbm>>
      %dma_wait3A_16 = tpu.memref_slice %arg4[%mul3A_2] : memref<2048xi32, #tpu.memory_space<hbm>> -> memref<64xi32, #tpu.memory_space<hbm>>
      tpu.wait_dma2 semaphore(%run_scoped3A : memref<!tpu.dma_semaphore, #tpu.memory_space<semaphore_mem>>) src(%dma_wait3A_16 : memref<64xi32, #tpu.memory_space<hbm>>) dst(%arg7 : memref<64xi32, #tpu.memory_space<vmem>>)
      tpu.yield
    }) : () -> ()
    %dma_start3A_7 = arith.constant 0 : i32
    %dma_start3A_8 = arith.constant 0 : i32
    %dma_start3A_9 = tpu.memref_slice %arg2[%dma_start3A_7, %dma_start3A_8] : memref<6144x1024xf32, #tpu.memory_space<hbm>> -> memref<6144x1024xf32, #tpu.memory_space<hbm>>
    tpu.enqueue_indirect_dma source(%dma_start3A_9 : memref<6144x1024xf32, #tpu.memory_space<hbm>>) target(%arg8 : memref<64x1024xf32, #tpu.memory_space<vmem>>) offsets(%arg7 : memref<64xi32, #tpu.memory_space<vmem>>) semaphore(%arg9 : memref<!tpu.dma_semaphore, #tpu.memory_space<semaphore_mem>>)
    %dma_wait3A_10 = arith.constant 0 : i32
    %dma_wait3A_11 = arith.constant 0 : i32
    %dma_wait3A_12 = tpu.memref_slice %arg2[%dma_wait3A_10, %dma_wait3A_11] : memref<6144x1024xf32, #tpu.memory_space<hbm>> -> memref<6144x1024xf32, #tpu.memory_space<hbm>>
    tpu.wait_indirect_dma semaphore(%arg9 : memref<!tpu.dma_semaphore, #tpu.memory_space<semaphore_mem>>) src(%dma_wait3A_12 : memref<6144x1024xf32, #tpu.memory_space<hbm>>) dst(%arg8 : memref<64x1024xf32, #tpu.memory_space<vmem>>)
    "tpu.region"() ({
      %run_scoped3A = tpu.sem_alloc : memref<!tpu.dma_semaphore, #tpu.memory_space<semaphore_mem>>
      %dma_start3A_13 = arith.constant 0 : i32
      %dma_start3A_14 = tpu.memref_slice %arg6[%mul3A_2, %dma_start3A_13] : memref<2048x1024xf32, #tpu.memory_space<hbm>> -> memref<64x1024xf32, #tpu.memory_space<hbm>>
      %dma_start3A_15 = arith.constant 0 : i32
      %dma_start3A_16 = tpu.memref_slice %arg6[%mul3A_2, %dma_start3A_15] : memref<2048x1024xf32, #tpu.memory_space<hbm>> -> memref<64x1024xf32, #tpu.memory_space<hbm>>
      tpu.enqueue_dma source(%arg8 : memref<64x1024xf32, #tpu.memory_space<vmem>>) target(%dma_start3A_16 : memref<64x1024xf32, #tpu.memory_space<hbm>>) target_semaphore(%run_scoped3A : memref<!tpu.dma_semaphore, #tpu.memory_space<semaphore_mem>>)
      %dma_wait3A_17 = arith.constant 0 : i32
      %dma_wait3A_18 = tpu.memref_slice %arg6[%mul3A_2, %dma_wait3A_17] : memref<2048x1024xf32, #tpu.memory_space<hbm>> -> memref<64x1024xf32, #tpu.memory_space<hbm>>
      %dma_wait3A_19 = arith.constant 0 : i32
      %dma_wait3A_20 = tpu.memref_slice %arg6[%mul3A_2, %dma_wait3A_19] : memref<2048x1024xf32, #tpu.memory_space<hbm>> -> memref<64x1024xf32, #tpu.memory_space<hbm>>
      tpu.wait_dma2 semaphore(%run_scoped3A : memref<!tpu.dma_semaphore, #tpu.memory_space<semaphore_mem>>) src(%arg8 : memref<64x1024xf32, #tpu.memory_space<vmem>>) dst(%dma_wait3A_20 : memref<64x1024xf32, #tpu.memory_space<hbm>>)
      tpu.yield
    }) : () -> ()
    return
  }
}

module attributes {stable_mosaic.version = 14 : i64} {
  func.func @_dispatch_body(%arg0: i32, %arg1: memref<2048x1024xbf16, #tpu.memory_space<vmem>>, %arg2: memref<8x1024xf32, #tpu.memory_space<vmem>>, %arg3: memref<2048x1xi32, #tpu.memory_space<vmem>>, %arg4: memref<2048x1xi32, #tpu.memory_space<vmem>>, %arg5: memref<2048x2xf32, #tpu.memory_space<vmem>>, %arg6: memref<128x1xi32, #tpu.memory_space<vmem>>, %arg7: memref<1x1xi32, #tpu.memory_space<vmem>>) attributes {dimension_semantics = [#tpu.dimension_semantics<arbitrary>], iteration_bounds = array<i64: 1>, scalar_prefetch = 0 : i64, scratch_operands = 0 : i64, tpu.core_type = #tpu.core_type<tc>, window_params = [{pipeline_mode = #tpu.pipeline_mode<synchronous>, transform_indices = @transform_0, window_bounds = array<i64: 2048, 1024>}, {pipeline_mode = #tpu.pipeline_mode<synchronous>, transform_indices = @transform_1, window_bounds = array<i64: 8, 1024>}, {pipeline_mode = #tpu.pipeline_mode<synchronous>, transform_indices = @transform_2, window_bounds = array<i64: 2048, 1>}, {pipeline_mode = #tpu.pipeline_mode<synchronous>, transform_indices = @transform_3, window_bounds = array<i64: 2048, 1>}, {pipeline_mode = #tpu.pipeline_mode<synchronous>, transform_indices = @transform_4, window_bounds = array<i64: 2048, 2>}, {pipeline_mode = #tpu.pipeline_mode<synchronous>, transform_indices = @transform_5, window_bounds = array<i64: 128, 1>}, {pipeline_mode = #tpu.pipeline_mode<synchronous>, transform_indices = @transform_6, window_bounds = array<i64: 1, 1>}]} {
    %get3A = arith.constant 0 : index
    %get3A_0 = arith.constant 0 : index
    %get3A_1 = vector.load %arg1[%get3A, %get3A_0] : memref<2048x1024xbf16, #tpu.memory_space<vmem>>, vector<2048x1024xbf16>
    %get3A_2 = arith.constant 0 : index
    %get3A_3 = arith.constant 0 : index
    %get3A_4 = vector.load %arg2[%get3A_2, %get3A_3] : memref<8x1024xf32, #tpu.memory_space<vmem>>, vector<8x1024xf32>
    %convert_element_type3A = arith.truncf %get3A_4 : vector<8x1024xf32> to vector<8x1024xbf16>
    %dot_general3A = arith.constant dense<0.000000e+00> : vector<2048x8xf32>
    %dot_general3A_5 = tpu.matmul %get3A_1, %convert_element_type3A, %dot_general3A {dimension_numbers = #tpu.dot_dimension_numbers<[1], [1], [0], [0], [0, 0, 1, 0], [], []>, transpose_lhs_hint = false} : vector<2048x1024xbf16>, vector<8x1024xbf16>, vector<2048x8xf32> -> vector<2048x8xf32>
    %reduce_max3A = arith.constant dense<0xFF800000> : vector<2048xf32>
    %reduce_max3A_6 = vector.multi_reduction <maximumf>, %dot_general3A_5, %reduce_max3A [1] : vector<2048x8xf32> to vector<2048xf32>
    %broadcast_in_dim3A = vector.shape_cast %reduce_max3A_6 : vector<2048xf32> to vector<2048x1xf32>
    %sub3A = vector.broadcast %broadcast_in_dim3A : vector<2048x1xf32> to vector<2048x8xf32>
    %sub3A_7 = arith.subf %dot_general3A_5, %sub3A : vector<2048x8xf32>
    %exp3A = math.exp %sub3A_7 : vector<2048x8xf32>
    %reduce_sum3A = arith.constant dense<0.000000e+00> : vector<2048xf32>
    %reduce_sum3A_8 = vector.multi_reduction <add>, %exp3A, %reduce_sum3A [1] : vector<2048x8xf32> to vector<2048xf32>
    %broadcast_in_dim3A_9 = vector.shape_cast %reduce_sum3A_8 : vector<2048xf32> to vector<2048x1xf32>
    %div3A = vector.broadcast %broadcast_in_dim3A_9 : vector<2048x1xf32> to vector<2048x8xf32>
    %div3A_10 = arith.divf %exp3A, %div3A : vector<2048x8xf32>
    %iota3A = tpu.iota {dimensions = array<i32: 1>} : vector<2048x8xi32>
    %reduce_max3A_11 = arith.constant dense<0xFF800000> : vector<2048xf32>
    %reduce_max3A_12 = vector.multi_reduction <maximumf>, %div3A_10, %reduce_max3A_11 [1] : vector<2048x8xf32> to vector<2048xf32>
    %broadcast_in_dim3A_13 = vector.shape_cast %reduce_max3A_12 : vector<2048xf32> to vector<2048x1xf32>
    %eq3A = vector.broadcast %broadcast_in_dim3A_13 : vector<2048x1xf32> to vector<2048x8xf32>
    %eq3A_14 = arith.cmpf oeq, %div3A_10, %eq3A : vector<2048x8xf32>
    %jit3A = arith.constant 8 : i32
    %broadcast_in_dim3A_15 = vector.broadcast %jit3A : i32 to vector<2048x8xi32>
    %select_n3A = arith.select %eq3A_14, %iota3A, %broadcast_in_dim3A_15 : vector<2048x8xi1>, vector<2048x8xi32>
    %reduce_min3A = arith.constant dense<2147483647> : vector<2048xi32>
    %reduce_min3A_16 = vector.multi_reduction <minsi>, %select_n3A, %reduce_min3A [1] : vector<2048x8xi32> to vector<2048xi32>
    %broadcast_in_dim3A_17 = vector.shape_cast %reduce_min3A_16 : vector<2048xi32> to vector<2048x1xi32>
    %eq3A_18 = vector.broadcast %broadcast_in_dim3A_17 : vector<2048x1xi32> to vector<2048x8xi32>
    %eq3A_19 = arith.cmpi eq, %iota3A, %eq3A_18 : vector<2048x8xi32>
    %jit3A_20 = arith.constant -1.000000e+00 : f32
    %broadcast_in_dim3A_21 = vector.broadcast %jit3A_20 : f32 to vector<2048x8xf32>
    %select_n3A_22 = arith.select %eq3A_19, %broadcast_in_dim3A_21, %div3A_10 : vector<2048x8xi1>, vector<2048x8xf32>
    %reduce_max3A_23 = arith.constant dense<0xFF800000> : vector<2048xf32>
    %reduce_max3A_24 = vector.multi_reduction <maximumf>, %select_n3A_22, %reduce_max3A_23 [1] : vector<2048x8xf32> to vector<2048xf32>
    %broadcast_in_dim3A_25 = vector.shape_cast %reduce_max3A_24 : vector<2048xf32> to vector<2048x1xf32>
    %eq3A_26 = vector.broadcast %broadcast_in_dim3A_25 : vector<2048x1xf32> to vector<2048x8xf32>
    %eq3A_27 = arith.cmpf oeq, %select_n3A_22, %eq3A_26 : vector<2048x8xf32>
    %jit3A_28 = arith.constant 8 : i32
    %broadcast_in_dim3A_29 = vector.broadcast %jit3A_28 : i32 to vector<2048x8xi32>
    %select_n3A_30 = arith.select %eq3A_27, %iota3A, %broadcast_in_dim3A_29 : vector<2048x8xi1>, vector<2048x8xi32>
    %reduce_min3A_31 = arith.constant dense<2147483647> : vector<2048xi32>
    %reduce_min3A_32 = vector.multi_reduction <minsi>, %select_n3A_30, %reduce_min3A_31 [1] : vector<2048x8xi32> to vector<2048xi32>
    %broadcast_in_dim3A_33 = vector.shape_cast %reduce_min3A_32 : vector<2048xi32> to vector<2048x1xi32>
    %eq3A_34 = vector.broadcast %broadcast_in_dim3A_33 : vector<2048x1xi32> to vector<2048x8xi32>
    %eq3A_35 = arith.cmpi eq, %iota3A, %eq3A_34 : vector<2048x8xi32>
    %add3A = arith.addf %broadcast_in_dim3A_13, %broadcast_in_dim3A_25 : vector<2048x1xf32>
    %div3A_36 = arith.divf %broadcast_in_dim3A_13, %add3A : vector<2048x1xf32>
    %swap3A = arith.constant 0 : index
    %swap3A_37 = arith.constant 0 : index
    %swap3A_38 = vector.load %arg5[%swap3A, %swap3A_37] : memref<2048x2xf32, #tpu.memory_space<vmem>>, vector<2048x1xf32>
    tpu.vector_store %arg5[%swap3A, %swap3A_37], %div3A_36 {strides = array<i32>} : memref<2048x2xf32, #tpu.memory_space<vmem>>, vector<2048x1xf32>,
    %div3A_39 = arith.divf %broadcast_in_dim3A_25, %add3A : vector<2048x1xf32>
    %swap3A_40 = arith.constant 0 : index
    %swap3A_41 = arith.constant 1 : index
    %swap3A_42 = vector.load %arg5[%swap3A_40, %swap3A_41] : memref<2048x2xf32, #tpu.memory_space<vmem>>, vector<2048x1xf32>
    tpu.vector_store %arg5[%swap3A_40, %swap3A_41], %div3A_39 {strides = array<i32>} : memref<2048x2xf32, #tpu.memory_space<vmem>>, vector<2048x1xf32>,
    %or3A = arith.ori %eq3A_19, %eq3A_35 : vector<2048x8xi1>
    %convert_element_type3A_43 = arith.extui %or3A : vector<2048x8xi1> to vector<2048x8xi32>
    %convert_element_type3A_44 = arith.sitofp %convert_element_type3A_43 : vector<2048x8xi32> to vector<2048x8xf32>
    %convert_element_type3A_45 = arith.truncf %convert_element_type3A_44 : vector<2048x8xf32> to vector<2048x8xbf16>
    %iota3A_46 = tpu.iota {dimensions = array<i32: 0>} : vector<256x256xi32>
    %iota3A_47 = tpu.iota {dimensions = array<i32: 1>} : vector<256x256xi32>
    %lt3A = arith.cmpi slt, %iota3A_47, %iota3A_46 : vector<256x256xi32>
    %convert_element_type3A_48 = arith.extui %lt3A : vector<256x256xi1> to vector<256x256xi32>
    %convert_element_type3A_49 = arith.sitofp %convert_element_type3A_48 : vector<256x256xi32> to vector<256x256xf32>
    %convert_element_type3A_50 = arith.truncf %convert_element_type3A_49 : vector<256x256xf32> to vector<256x256xbf16>
    %broadcast_in_dim3A_51 = arith.constant 0.000000e+00 : f32
    %broadcast_in_dim3A_52 = vector.broadcast %broadcast_in_dim3A_51 : f32 to vector<1x8xf32>
    %slice3A = vector.extract_strided_slice %convert_element_type3A_45 {offsets = [0, 0], sizes = [256, 8], strides = [1, 1]} : vector<2048x8xbf16> to vector<256x8xbf16>
    %dot_general3A_53 = arith.constant dense<0.000000e+00> : vector<256x8xf32>
    %dot_general3A_54 = tpu.matmul %convert_element_type3A_50, %slice3A, %dot_general3A_53 {dimension_numbers = #tpu.dot_dimension_numbers<[1], [0], [0], [1], [0, 0, 1, 1], [], []>, transpose_lhs_hint = false} : vector<256x256xbf16>, vector<256x8xbf16>, vector<256x8xf32> -> vector<256x8xf32>
    %add3A_55 = vector.broadcast %broadcast_in_dim3A_52 : vector<1x8xf32> to vector<256x8xf32>
    %add3A_56 = arith.addf %dot_general3A_54, %add3A_55 : vector<256x8xf32>
    %convert_element_type3A_57 = arith.extf %slice3A : vector<256x8xbf16> to vector<256x8xf32>
    %reduce_sum3A_58 = arith.constant dense<0.000000e+00> : vector<8xf32>
    %reduce_sum3A_59 = vector.multi_reduction <add>, %convert_element_type3A_57, %reduce_sum3A_58 [0] : vector<256x8xf32> to vector<8xf32>
    %broadcast_in_dim3A_60 = vector.shape_cast %reduce_sum3A_59 : vector<8xf32> to vector<1x8xf32>
    %add3A_61 = arith.addf %broadcast_in_dim3A_52, %broadcast_in_dim3A_60 : vector<1x8xf32>
    %slice3A_62 = vector.extract_strided_slice %convert_element_type3A_45 {offsets = [256, 0], sizes = [256, 8], strides = [1, 1]} : vector<2048x8xbf16> to vector<256x8xbf16>
    %dot_general3A_63 = arith.constant dense<0.000000e+00> : vector<256x8xf32>
    %dot_general3A_64 = tpu.matmul %convert_element_type3A_50, %slice3A_62, %dot_general3A_63 {dimension_numbers = #tpu.dot_dimension_numbers<[1], [0], [0], [1], [0, 0, 1, 1], [], []>, transpose_lhs_hint = false} : vector<256x256xbf16>, vector<256x8xbf16>, vector<256x8xf32> -> vector<256x8xf32>
    %add3A_65 = vector.broadcast %add3A_61 : vector<1x8xf32> to vector<256x8xf32>
    %add3A_66 = arith.addf %dot_general3A_64, %add3A_65 : vector<256x8xf32>
    %convert_element_type3A_67 = arith.extf %slice3A_62 : vector<256x8xbf16> to vector<256x8xf32>
    %reduce_sum3A_68 = arith.constant dense<0.000000e+00> : vector<8xf32>
    %reduce_sum3A_69 = vector.multi_reduction <add>, %convert_element_type3A_67, %reduce_sum3A_68 [0] : vector<256x8xf32> to vector<8xf32>
    %broadcast_in_dim3A_70 = vector.shape_cast %reduce_sum3A_69 : vector<8xf32> to vector<1x8xf32>
    %add3A_71 = arith.addf %add3A_61, %broadcast_in_dim3A_70 : vector<1x8xf32>
    %slice3A_72 = vector.extract_strided_slice %convert_element_type3A_45 {offsets = [512, 0], sizes = [256, 8], strides = [1, 1]} : vector<2048x8xbf16> to vector<256x8xbf16>
    %dot_general3A_73 = arith.constant dense<0.000000e+00> : vector<256x8xf32>
    %dot_general3A_74 = tpu.matmul %convert_element_type3A_50, %slice3A_72, %dot_general3A_73 {dimension_numbers = #tpu.dot_dimension_numbers<[1], [0], [0], [1], [0, 0, 1, 1], [], []>, transpose_lhs_hint = false} : vector<256x256xbf16>, vector<256x8xbf16>, vector<256x8xf32> -> vector<256x8xf32>
    %add3A_75 = vector.broadcast %add3A_71 : vector<1x8xf32> to vector<256x8xf32>
    %add3A_76 = arith.addf %dot_general3A_74, %add3A_75 : vector<256x8xf32>
    %convert_element_type3A_77 = arith.extf %slice3A_72 : vector<256x8xbf16> to vector<256x8xf32>
    %reduce_sum3A_78 = arith.constant dense<0.000000e+00> : vector<8xf32>
    %reduce_sum3A_79 = vector.multi_reduction <add>, %convert_element_type3A_77, %reduce_sum3A_78 [0] : vector<256x8xf32> to vector<8xf32>
    %broadcast_in_dim3A_80 = vector.shape_cast %reduce_sum3A_79 : vector<8xf32> to vector<1x8xf32>
    %add3A_81 = arith.addf %add3A_71, %broadcast_in_dim3A_80 : vector<1x8xf32>
    %slice3A_82 = vector.extract_strided_slice %convert_element_type3A_45 {offsets = [768, 0], sizes = [256, 8], strides = [1, 1]} : vector<2048x8xbf16> to vector<256x8xbf16>
    %dot_general3A_83 = arith.constant dense<0.000000e+00> : vector<256x8xf32>
    %dot_general3A_84 = tpu.matmul %convert_element_type3A_50, %slice3A_82, %dot_general3A_83 {dimension_numbers = #tpu.dot_dimension_numbers<[1], [0], [0], [1], [0, 0, 1, 1], [], []>, transpose_lhs_hint = false} : vector<256x256xbf16>, vector<256x8xbf16>, vector<256x8xf32> -> vector<256x8xf32>
    %add3A_85 = vector.broadcast %add3A_81 : vector<1x8xf32> to vector<256x8xf32>
    %add3A_86 = arith.addf %dot_general3A_84, %add3A_85 : vector<256x8xf32>
    %convert_element_type3A_87 = arith.extf %slice3A_82 : vector<256x8xbf16> to vector<256x8xf32>
    %reduce_sum3A_88 = arith.constant dense<0.000000e+00> : vector<8xf32>
    %reduce_sum3A_89 = vector.multi_reduction <add>, %convert_element_type3A_87, %reduce_sum3A_88 [0] : vector<256x8xf32> to vector<8xf32>
    %broadcast_in_dim3A_90 = vector.shape_cast %reduce_sum3A_89 : vector<8xf32> to vector<1x8xf32>
    %add3A_91 = arith.addf %add3A_81, %broadcast_in_dim3A_90 : vector<1x8xf32>
    %slice3A_92 = vector.extract_strided_slice %convert_element_type3A_45 {offsets = [1024, 0], sizes = [256, 8], strides = [1, 1]} : vector<2048x8xbf16> to vector<256x8xbf16>
    %dot_general3A_93 = arith.constant dense<0.000000e+00> : vector<256x8xf32>
    %dot_general3A_94 = tpu.matmul %convert_element_type3A_50, %slice3A_92, %dot_general3A_93 {dimension_numbers = #tpu.dot_dimension_numbers<[1], [0], [0], [1], [0, 0, 1, 1], [], []>, transpose_lhs_hint = false} : vector<256x256xbf16>, vector<256x8xbf16>, vector<256x8xf32> -> vector<256x8xf32>
    %add3A_95 = vector.broadcast %add3A_91 : vector<1x8xf32> to vector<256x8xf32>
    %add3A_96 = arith.addf %dot_general3A_94, %add3A_95 : vector<256x8xf32>
    %convert_element_type3A_97 = arith.extf %slice3A_92 : vector<256x8xbf16> to vector<256x8xf32>
    %reduce_sum3A_98 = arith.constant dense<0.000000e+00> : vector<8xf32>
    %reduce_sum3A_99 = vector.multi_reduction <add>, %convert_element_type3A_97, %reduce_sum3A_98 [0] : vector<256x8xf32> to vector<8xf32>
    %broadcast_in_dim3A_100 = vector.shape_cast %reduce_sum3A_99 : vector<8xf32> to vector<1x8xf32>
    %add3A_101 = arith.addf %add3A_91, %broadcast_in_dim3A_100 : vector<1x8xf32>
    %slice3A_102 = vector.extract_strided_slice %convert_element_type3A_45 {offsets = [1280, 0], sizes = [256, 8], strides = [1, 1]} : vector<2048x8xbf16> to vector<256x8xbf16>
    %dot_general3A_103 = arith.constant dense<0.000000e+00> : vector<256x8xf32>
    %dot_general3A_104 = tpu.matmul %convert_element_type3A_50, %slice3A_102, %dot_general3A_103 {dimension_numbers = #tpu.dot_dimension_numbers<[1], [0], [0], [1], [0, 0, 1, 1], [], []>, transpose_lhs_hint = false} : vector<256x256xbf16>, vector<256x8xbf16>, vector<256x8xf32> -> vector<256x8xf32>
    %add3A_105 = vector.broadcast %add3A_101 : vector<1x8xf32> to vector<256x8xf32>
    %add3A_106 = arith.addf %dot_general3A_104, %add3A_105 : vector<256x8xf32>
    %convert_element_type3A_107 = arith.extf %slice3A_102 : vector<256x8xbf16> to vector<256x8xf32>
    %reduce_sum3A_108 = arith.constant dense<0.000000e+00> : vector<8xf32>
    %reduce_sum3A_109 = vector.multi_reduction <add>, %convert_element_type3A_107, %reduce_sum3A_108 [0] : vector<256x8xf32> to vector<8xf32>
    %broadcast_in_dim3A_110 = vector.shape_cast %reduce_sum3A_109 : vector<8xf32> to vector<1x8xf32>
    %add3A_111 = arith.addf %add3A_101, %broadcast_in_dim3A_110 : vector<1x8xf32>
    %slice3A_112 = vector.extract_strided_slice %convert_element_type3A_45 {offsets = [1536, 0], sizes = [256, 8], strides = [1, 1]} : vector<2048x8xbf16> to vector<256x8xbf16>
    %dot_general3A_113 = arith.constant dense<0.000000e+00> : vector<256x8xf32>
    %dot_general3A_114 = tpu.matmul %convert_element_type3A_50, %slice3A_112, %dot_general3A_113 {dimension_numbers = #tpu.dot_dimension_numbers<[1], [0], [0], [1], [0, 0, 1, 1], [], []>, transpose_lhs_hint = false} : vector<256x256xbf16>, vector<256x8xbf16>, vector<256x8xf32> -> vector<256x8xf32>
    %add3A_115 = vector.broadcast %add3A_111 : vector<1x8xf32> to vector<256x8xf32>
    %add3A_116 = arith.addf %dot_general3A_114, %add3A_115 : vector<256x8xf32>
    %convert_element_type3A_117 = arith.extf %slice3A_112 : vector<256x8xbf16> to vector<256x8xf32>
    %reduce_sum3A_118 = arith.constant dense<0.000000e+00> : vector<8xf32>
    %reduce_sum3A_119 = vector.multi_reduction <add>, %convert_element_type3A_117, %reduce_sum3A_118 [0] : vector<256x8xf32> to vector<8xf32>
    %broadcast_in_dim3A_120 = vector.shape_cast %reduce_sum3A_119 : vector<8xf32> to vector<1x8xf32>
    %add3A_121 = arith.addf %add3A_111, %broadcast_in_dim3A_120 : vector<1x8xf32>
    %slice3A_122 = vector.extract_strided_slice %convert_element_type3A_45 {offsets = [1792, 0], sizes = [256, 8], strides = [1, 1]} : vector<2048x8xbf16> to vector<256x8xbf16>
    %dot_general3A_123 = arith.constant dense<0.000000e+00> : vector<256x8xf32>
    %dot_general3A_124 = tpu.matmul %convert_element_type3A_50, %slice3A_122, %dot_general3A_123 {dimension_numbers = #tpu.dot_dimension_numbers<[1], [0], [0], [1], [0, 0, 1, 1], [], []>, transpose_lhs_hint = false} : vector<256x256xbf16>, vector<256x8xbf16>, vector<256x8xf32> -> vector<256x8xf32>
    %add3A_125 = vector.broadcast %add3A_121 : vector<1x8xf32> to vector<256x8xf32>
    %add3A_126 = arith.addf %dot_general3A_124, %add3A_125 : vector<256x8xf32>
    %convert_element_type3A_127 = arith.extf %slice3A_122 : vector<256x8xbf16> to vector<256x8xf32>
    %reduce_sum3A_128 = arith.constant dense<0.000000e+00> : vector<8xf32>
    %reduce_sum3A_129 = vector.multi_reduction <add>, %convert_element_type3A_127, %reduce_sum3A_128 [0] : vector<256x8xf32> to vector<8xf32>
    %broadcast_in_dim3A_130 = vector.shape_cast %reduce_sum3A_129 : vector<8xf32> to vector<1x8xf32>
    %add3A_131 = arith.addf %add3A_121, %broadcast_in_dim3A_130 : vector<1x8xf32>
    %concatenate3A = tpu.concatenate %add3A_56, %add3A_66, %add3A_76, %add3A_86, %add3A_96, %add3A_106, %add3A_116, %add3A_126 in 0 : vector<256x8xf32>, vector<256x8xf32>, vector<256x8xf32>, vector<256x8xf32>, vector<256x8xf32>, vector<256x8xf32>, vector<256x8xf32>, vector<256x8xf32> -> vector<2048x8xf32>
    %convert_element_type3A_132 = arith.fptosi %add3A_131 : vector<1x8xf32> to vector<1x8xi32>
    %add3A_133 = arith.constant 255 : i32
    %add3A_134 = vector.broadcast %add3A_133 : i32 to vector<1x8xi32>
    %add3A_135 = arith.addi %convert_element_type3A_132, %add3A_134 : vector<1x8xi32>
    %jit3A_136 = arith.constant 256 : i32
    %div3A_137 = vector.broadcast %jit3A_136 : i32 to vector<1x8xi32>
    %div3A_138 = arith.divsi %add3A_135, %div3A_137 : vector<1x8xi32>
    %sign3A = arith.constant 0 : i32
    %sign3A_139 = vector.broadcast %sign3A : i32 to vector<1x8xi32>
    %sign3A_140 = arith.cmpi sgt, %add3A_135, %sign3A_139 : vector<1x8xi32>
    %sign3A_141 = arith.extui %sign3A_140 : vector<1x8xi1> to vector<1x8xi32>
    %sign3A_142 = arith.constant 0 : i32
    %sign3A_143 = vector.broadcast %sign3A_142 : i32 to vector<1x8xi32>
    %sign3A_144 = arith.cmpi slt, %add3A_135, %sign3A_143 : vector<1x8xi32>
    %sign3A_145 = arith.extui %sign3A_144 : vector<1x8xi1> to vector<1x8xi32>
    %sign3A_146 = arith.subi %sign3A_141, %sign3A_145 : vector<1x8xi32>
    %sign3A_147 = arith.constant 0 : i32
    %sign3A_148 = arith.cmpi sgt, %jit3A_136, %sign3A_147 : i32
    %sign3A_149 = arith.extui %sign3A_148 : i1 to i32
    %sign3A_150 = arith.constant 0 : i32
    %sign3A_151 = arith.cmpi slt, %jit3A_136, %sign3A_150 : i32
    %sign3A_152 = arith.extui %sign3A_151 : i1 to i32
    %sign3A_153 = arith.subi %sign3A_149, %sign3A_152 : i32
    %ne3A = vector.broadcast %sign3A_153 : i32 to vector<1x8xi32>
    %ne3A_154 = arith.cmpi ne, %sign3A_146, %ne3A : vector<1x8xi32>
    %rem3A = vector.broadcast %jit3A_136 : i32 to vector<1x8xi32>
    %rem3A_155 = arith.remsi %add3A_135, %rem3A : vector<1x8xi32>
    %ne3A_156 = arith.constant 0 : i32
    %ne3A_157 = vector.broadcast %ne3A_156 : i32 to vector<1x8xi32>
    %ne3A_158 = arith.cmpi ne, %rem3A_155, %ne3A_157 : vector<1x8xi32>
    %and3A = arith.andi %ne3A_154, %ne3A_158 : vector<1x8xi1>
    %sub3A_159 = arith.constant 1 : i32
    %sub3A_160 = vector.broadcast %sub3A_159 : i32 to vector<1x8xi32>
    %sub3A_161 = arith.subi %div3A_138, %sub3A_160 : vector<1x8xi32>
    %select_n3A_162 = arith.select %and3A, %sub3A_161, %div3A_138 : vector<1x8xi1>, vector<1x8xi32>
    %mul3A = arith.constant 256 : i32
    %mul3A_163 = vector.broadcast %mul3A : i32 to vector<1x8xi32>
    %mul3A_164 = arith.muli %select_n3A_162, %mul3A_163 : vector<1x8xi32>
    %convert_element_type3A_165 = arith.sitofp %mul3A_164 : vector<1x8xi32> to vector<1x8xf32>
    %iota3A_166 = tpu.iota {dimensions = array<i32: 0>} : vector<8x8xi32>
    %iota3A_167 = tpu.iota {dimensions = array<i32: 1>} : vector<8x8xi32>
    %lt3A_168 = arith.cmpi slt, %iota3A_166, %iota3A_167 : vector<8x8xi32>
    %convert_element_type3A_169 = arith.extui %lt3A_168 : vector<8x8xi1> to vector<8x8xi32>
    %convert_element_type3A_170 = arith.sitofp %convert_element_type3A_169 : vector<8x8xi32> to vector<8x8xf32>
    %dot_general3A_171 = arith.constant dense<0.000000e+00> : vector<1x8xf32>
    %dot_general3A_172 = tpu.matmul %convert_element_type3A_165, %convert_element_type3A_170, %dot_general3A_171 {dimension_numbers = #tpu.dot_dimension_numbers<[1], [0], [0], [1], [0, 0, 1, 1], [], []>, precision = #tpu.contract_precision<fp32>, transpose_lhs_hint = false} : vector<1x8xf32>, vector<8x8xf32>, vector<1x8xf32> -> vector<1x8xf32>
    %add3A_173 = vector.broadcast %dot_general3A_172 : vector<1x8xf32> to vector<2048x8xf32>
    %add3A_174 = arith.addf %add3A_173, %concatenate3A : vector<2048x8xf32>
    %jit3A_175 = arith.constant 0.000000e+00 : f32
    %broadcast_in_dim3A_176 = vector.broadcast %jit3A_175 : f32 to vector<2048x8xf32>
    %select_n3A_177 = arith.select %eq3A_19, %add3A_174, %broadcast_in_dim3A_176 : vector<2048x8xi1>, vector<2048x8xf32>
    %reduce_sum3A_178 = arith.constant dense<0.000000e+00> : vector<2048xf32>
    %reduce_sum3A_179 = vector.multi_reduction <add>, %select_n3A_177, %reduce_sum3A_178 [1] : vector<2048x8xf32> to vector<2048xf32>
    %broadcast_in_dim3A_180 = vector.shape_cast %reduce_sum3A_179 : vector<2048xf32> to vector<2048x1xf32>
    %convert_element_type3A_181 = arith.fptosi %broadcast_in_dim3A_180 : vector<2048x1xf32> to vector<2048x1xi32>
    %swap3A_182 = arith.constant 0 : index
    %swap3A_183 = arith.constant 0 : index
    %swap3A_184 = vector.load %arg3[%swap3A_182, %swap3A_183] : memref<2048x1xi32, #tpu.memory_space<vmem>>, vector<2048x1xi32>
    tpu.vector_store %arg3[%swap3A_182, %swap3A_183], %convert_element_type3A_181 {strides = array<i32>} : memref<2048x1xi32, #tpu.memory_space<vmem>>, vector<2048x1xi32>,
    %jit3A_185 = arith.constant 0.000000e+00 : f32
    %broadcast_in_dim3A_186 = vector.broadcast %jit3A_185 : f32 to vector<2048x8xf32>
    %select_n3A_187 = arith.select %eq3A_35, %add3A_174, %broadcast_in_dim3A_186 : vector<2048x8xi1>, vector<2048x8xf32>
    %reduce_sum3A_188 = arith.constant dense<0.000000e+00> : vector<2048xf32>
    %reduce_sum3A_189 = vector.multi_reduction <add>, %select_n3A_187, %reduce_sum3A_188 [1] : vector<2048x8xf32> to vector<2048xf32>
    %broadcast_in_dim3A_190 = vector.shape_cast %reduce_sum3A_189 : vector<2048xf32> to vector<2048x1xf32>
    %convert_element_type3A_191 = arith.fptosi %broadcast_in_dim3A_190 : vector<2048x1xf32> to vector<2048x1xi32>
    %swap3A_192 = arith.constant 0 : index
    %swap3A_193 = arith.constant 0 : index
    %swap3A_194 = vector.load %arg4[%swap3A_192, %swap3A_193] : memref<2048x1xi32, #tpu.memory_space<vmem>>, vector<2048x1xi32>
    tpu.vector_store %arg4[%swap3A_192, %swap3A_193], %convert_element_type3A_191 {strides = array<i32>} : memref<2048x1xi32, #tpu.memory_space<vmem>>, vector<2048x1xi32>,
    %iota3A_195 = tpu.iota {dimensions = array<i32: 0>} : vector<128x8xi32>
    %mul3A_196 = arith.constant 256 : i32
    %mul3A_197 = vector.broadcast %mul3A_196 : i32 to vector<128x8xi32>
    %mul3A_198 = arith.muli %iota3A_195, %mul3A_197 : vector<128x8xi32>
    %convert_element_type3A_199 = arith.fptosi %dot_general3A_172 : vector<1x8xf32> to vector<1x8xi32>
    %ge3A = vector.broadcast %convert_element_type3A_199 : vector<1x8xi32> to vector<128x8xi32>
    %ge3A_200 = arith.cmpi sge, %mul3A_198, %ge3A : vector<128x8xi32>
    %convert_element_type3A_201 = arith.extui %ge3A_200 : vector<128x8xi1> to vector<128x8xi32>
    %reduce_sum3A_202 = arith.constant dense<0> : vector<128xi32>
    %reduce_sum3A_203 = vector.multi_reduction <add>, %convert_element_type3A_201, %reduce_sum3A_202 [1] : vector<128x8xi32> to vector<128xi32>
    %broadcast_in_dim3A_204 = vector.shape_cast %reduce_sum3A_203 : vector<128xi32> to vector<128x1xi32>
    %sub3A_205 = arith.constant 1 : i32
    %sub3A_206 = vector.broadcast %sub3A_205 : i32 to vector<128x1xi32>
    %sub3A_207 = arith.subi %broadcast_in_dim3A_204, %sub3A_206 : vector<128x1xi32>
    %swap3A_208 = arith.constant 0 : index
    %swap3A_209 = arith.constant 0 : index
    %swap3A_210 = vector.load %arg6[%swap3A_208, %swap3A_209] : memref<128x1xi32, #tpu.memory_space<vmem>>, vector<128x1xi32>
    tpu.vector_store %arg6[%swap3A_208, %swap3A_209], %sub3A_207 {strides = array<i32>} : memref<128x1xi32, #tpu.memory_space<vmem>>, vector<128x1xi32>,
    %reduce_sum3A_211 = arith.constant dense<0> : vector<1xi32>
    %reduce_sum3A_212 = vector.multi_reduction <add>, %mul3A_164, %reduce_sum3A_211 [1] : vector<1x8xi32> to vector<1xi32>
    %broadcast_in_dim3A_213 = vector.shape_cast %reduce_sum3A_212 : vector<1xi32> to vector<1x1xi32>
    %jit3A_214 = arith.constant 256 : i32
    %div3A_215 = vector.broadcast %jit3A_214 : i32 to vector<1x1xi32>
    %div3A_216 = arith.divsi %broadcast_in_dim3A_213, %div3A_215 : vector<1x1xi32>
    %sign3A_217 = arith.constant 0 : i32
    %sign3A_218 = vector.broadcast %sign3A_217 : i32 to vector<1x1xi32>
    %sign3A_219 = arith.cmpi sgt, %broadcast_in_dim3A_213, %sign3A_218 : vector<1x1xi32>
    %sign3A_220 = arith.extui %sign3A_219 : vector<1x1xi1> to vector<1x1xi32>
    %sign3A_221 = arith.constant 0 : i32
    %sign3A_222 = vector.broadcast %sign3A_221 : i32 to vector<1x1xi32>
    %sign3A_223 = arith.cmpi slt, %broadcast_in_dim3A_213, %sign3A_222 : vector<1x1xi32>
    %sign3A_224 = arith.extui %sign3A_223 : vector<1x1xi1> to vector<1x1xi32>
    %sign3A_225 = arith.subi %sign3A_220, %sign3A_224 : vector<1x1xi32>
    %sign3A_226 = arith.constant 0 : i32
    %sign3A_227 = arith.cmpi sgt, %jit3A_214, %sign3A_226 : i32
    %sign3A_228 = arith.extui %sign3A_227 : i1 to i32
    %sign3A_229 = arith.constant 0 : i32
    %sign3A_230 = arith.cmpi slt, %jit3A_214, %sign3A_229 : i32
    %sign3A_231 = arith.extui %sign3A_230 : i1 to i32
    %sign3A_232 = arith.subi %sign3A_228, %sign3A_231 : i32
    %ne3A_233 = vector.broadcast %sign3A_232 : i32 to vector<1x1xi32>
    %ne3A_234 = arith.cmpi ne, %sign3A_225, %ne3A_233 : vector<1x1xi32>
    %rem3A_235 = vector.broadcast %jit3A_214 : i32 to vector<1x1xi32>
    %rem3A_236 = arith.remsi %broadcast_in_dim3A_213, %rem3A_235 : vector<1x1xi32>
    %ne3A_237 = arith.constant 0 : i32
    %ne3A_238 = vector.broadcast %ne3A_237 : i32 to vector<1x1xi32>
    %ne3A_239 = arith.cmpi ne, %rem3A_236, %ne3A_238 : vector<1x1xi32>
    %and3A_240 = arith.andi %ne3A_234, %ne3A_239 : vector<1x1xi1>
    %sub3A_241 = arith.constant 1 : i32
    %sub3A_242 = vector.broadcast %sub3A_241 : i32 to vector<1x1xi32>
    %sub3A_243 = arith.subi %div3A_216, %sub3A_242 : vector<1x1xi32>
    %select_n3A_244 = arith.select %and3A_240, %sub3A_243, %div3A_216 : vector<1x1xi1>, vector<1x1xi32>
    %swap3A_245 = arith.constant 0 : index
    %swap3A_246 = arith.constant 0 : index
    %swap3A_247 = vector.load %arg7[%swap3A_245, %swap3A_246] : memref<1x1xi32, #tpu.memory_space<vmem>>, vector<1x1xi32>
    tpu.vector_store %arg7[%swap3A_245, %swap3A_246], %select_n3A_244 {strides = array<i32>} : memref<1x1xi32, #tpu.memory_space<vmem>>, vector<1x1xi32>,
    return
  }
  func.func @transform_0(%arg0: i32) -> (i32, i32) {
    %c0_i32 = arith.constant 0 : i32
    %c0_i32_0 = arith.constant 0 : i32
    %c0_i32_1 = arith.constant 0 : i32
    return %c0_i32, %c0_i32_0 : i32, i32
  }
  func.func @transform_1(%arg0: i32) -> (i32, i32) {
    %c0_i32 = arith.constant 0 : i32
    %c0_i32_0 = arith.constant 0 : i32
    %c0_i32_1 = arith.constant 0 : i32
    return %c0_i32, %c0_i32_0 : i32, i32
  }
  func.func @transform_2(%arg0: i32) -> (i32, i32) {
    %c0_i32 = arith.constant 0 : i32
    %c0_i32_0 = arith.constant 0 : i32
    %c0_i32_1 = arith.constant 0 : i32
    return %c0_i32, %c0_i32_0 : i32, i32
  }
  func.func @transform_3(%arg0: i32) -> (i32, i32) {
    %c0_i32 = arith.constant 0 : i32
    %c0_i32_0 = arith.constant 0 : i32
    %c0_i32_1 = arith.constant 0 : i32
    return %c0_i32, %c0_i32_0 : i32, i32
  }
  func.func @transform_4(%arg0: i32) -> (i32, i32) {
    %c0_i32 = arith.constant 0 : i32
    %c0_i32_0 = arith.constant 0 : i32
    %c0_i32_1 = arith.constant 0 : i32
    return %c0_i32, %c0_i32_0 : i32, i32
  }
  func.func @transform_5(%arg0: i32) -> (i32, i32) {
    %c0_i32 = arith.constant 0 : i32
    %c0_i32_0 = arith.constant 0 : i32
    %c0_i32_1 = arith.constant 0 : i32
    return %c0_i32, %c0_i32_0 : i32, i32
  }
  func.func @transform_6(%arg0: i32) -> (i32, i32) {
    %c0_i32 = arith.constant 0 : i32
    %c0_i32_0 = arith.constant 0 : i32
    %c0_i32_1 = arith.constant 0 : i32
    return %c0_i32, %c0_i32_0 : i32, i32
  }
}

module attributes {stable_mosaic.version = 14 : i64} {
  func.func @_grouped_body(%arg0: i32, %arg1: memref<128xi32, #tpu.memory_space<smem>>, %arg2: memref<1xi32, #tpu.memory_space<smem>>, %arg3: memref<256x1024xf32, #tpu.memory_space<vmem>>, %arg4: memref<1x512x1024xf32, #tpu.memory_space<vmem>>, %arg5: memref<1x512x1024xf32, #tpu.memory_space<vmem>>, %arg6: memref<1x1024x512xf32, #tpu.memory_space<vmem>>, %arg7: memref<1x8x1024xf32, #tpu.memory_space<vmem>>, %arg8: memref<1x512x8xf32, #tpu.memory_space<vmem>>, %arg9: memref<1x8x1024xf32, #tpu.memory_space<vmem>>, %arg10: memref<1x512x8xf32, #tpu.memory_space<vmem>>, %arg11: memref<1x8x512xf32, #tpu.memory_space<vmem>>, %arg12: memref<1x1024x8xf32, #tpu.memory_space<vmem>>, %arg13: memref<256x1024xf32, #tpu.memory_space<vmem>>, %arg14: memref<1024x1024xbf16, #tpu.memory_space<vmem>>, %arg15: memref<1024x512xbf16, #tpu.memory_space<vmem>>) attributes {dimension_semantics = [#tpu.dimension_semantics<arbitrary>], iteration_bounds = array<i64: 24>, scalar_prefetch = 2 : i64, scratch_operands = 2 : i64, tpu.core_type = #tpu.core_type<tc>, window_params = [{transform_indices = @transform_0, window_bounds = array<i64: 256, 1024>}, {transform_indices = @transform_1, window_bounds = array<i64: 1, 512, 1024>}, {transform_indices = @transform_2, window_bounds = array<i64: 1, 512, 1024>}, {transform_indices = @transform_3, window_bounds = array<i64: 1, 1024, 512>}, {transform_indices = @transform_4, window_bounds = array<i64: 1, 8, 1024>}, {transform_indices = @transform_5, window_bounds = array<i64: 1, 512, 8>}, {transform_indices = @transform_6, window_bounds = array<i64: 1, 8, 1024>}, {transform_indices = @transform_7, window_bounds = array<i64: 1, 512, 8>}, {transform_indices = @transform_8, window_bounds = array<i64: 1, 8, 512>}, {transform_indices = @transform_9, window_bounds = array<i64: 1, 1024, 8>}, {transform_indices = @transform_10, window_bounds = array<i64: 256, 1024>}]} {
    %sub3A = arith.constant 1 : i32
    %sub3A_0 = arith.subi %arg0, %sub3A : i32
    %max3A = arith.constant 0 : i32
    %max3A_1 = arith.maxsi %sub3A_0, %max3A : i32
    %get3A = arith.index_cast %max3A_1 : i32 to index
    %get3A_2 = memref.load %arg1[%get3A] : memref<128xi32, #tpu.memory_space<smem>>
    %eq3A = arith.constant 0 : i32
    %eq3A_3 = arith.cmpi eq, %arg0, %eq3A : i32
    %get3A_4 = arith.index_cast %arg0 : i32 to index
    %get3A_5 = memref.load %arg1[%get3A_4] : memref<128xi32, #tpu.memory_space<smem>>
    %ne3A = arith.cmpi ne, %get3A_5, %get3A_2 : i32
    %or3A = arith.ori %eq3A_3, %ne3A : i1
    %convert_element_type3A = arith.extui %or3A : i1 to i32
    %cond3A = arith.constant 0 : i32
    %cond3A_6 = arith.cmpi ne, %convert_element_type3A, %cond3A : i32
    scf.if %cond3A_6 {
      %get3A_12 = arith.constant 0 : index
      %get3A_13 = arith.constant 0 : index
      %get3A_14 = arith.constant 0 : index
      %get3A_15 = vector.load %arg4[%get3A_12, %get3A_13, %get3A_14] : memref<1x512x1024xf32, #tpu.memory_space<vmem>>, vector<1x512x1024xf32>
      %get3A_16 = vector.shape_cast %get3A_15 : vector<1x512x1024xf32> to vector<512x1024xf32>
      %get3A_17 = arith.constant 0 : index
      %get3A_18 = arith.constant 0 : index
      %get3A_19 = arith.constant 0 : index
      %get3A_20 = vector.load %arg8[%get3A_17, %get3A_18, %get3A_19] : memref<1x512x8xf32, #tpu.memory_space<vmem>>, vector<1x512x8xf32>
      %get3A_21 = vector.shape_cast %get3A_20 : vector<1x512x8xf32> to vector<512x8xf32>
      %get3A_22 = arith.constant 0 : index
      %get3A_23 = arith.constant 0 : index
      %get3A_24 = arith.constant 0 : index
      %get3A_25 = vector.load %arg7[%get3A_22, %get3A_23, %get3A_24] : memref<1x8x1024xf32, #tpu.memory_space<vmem>>, vector<1x8x1024xf32>
      %get3A_26 = vector.shape_cast %get3A_25 : vector<1x8x1024xf32> to vector<8x1024xf32>
      %dot_general3A = arith.constant dense<0.000000e+00> : vector<512x1024xf32>
      %dot_general3A_27 = tpu.matmul %get3A_21, %get3A_26, %dot_general3A {dimension_numbers = #tpu.dot_dimension_numbers<[1], [0], [0], [1], [0, 0, 1, 1], [], []>, transpose_lhs_hint = false} : vector<512x8xf32>, vector<8x1024xf32>, vector<512x1024xf32> -> vector<512x1024xf32>
      %add3A = arith.addf %get3A_16, %dot_general3A_27 : vector<512x1024xf32>
      %convert_element_type3A_28 = arith.truncf %add3A : vector<512x1024xf32> to vector<512x1024xbf16>
      %swap3A = arith.constant 0 : index
      %swap3A_29 = arith.constant 0 : index
      %swap3A_30 = vector.load %arg14[%swap3A, %swap3A_29] : memref<1024x1024xbf16, #tpu.memory_space<vmem>>, vector<512x1024xbf16>
      tpu.vector_store %arg14[%swap3A, %swap3A_29], %convert_element_type3A_28 {strides = array<i32>} : memref<1024x1024xbf16, #tpu.memory_space<vmem>>, vector<512x1024xbf16>,
      %get3A_31 = arith.constant 0 : index
      %get3A_32 = arith.constant 0 : index
      %get3A_33 = arith.constant 0 : index
      %get3A_34 = vector.load %arg5[%get3A_31, %get3A_32, %get3A_33] : memref<1x512x1024xf32, #tpu.memory_space<vmem>>, vector<1x512x1024xf32>
      %get3A_35 = vector.shape_cast %get3A_34 : vector<1x512x1024xf32> to vector<512x1024xf32>
      %get3A_36 = arith.constant 0 : index
      %get3A_37 = arith.constant 0 : index
      %get3A_38 = arith.constant 0 : index
      %get3A_39 = vector.load %arg10[%get3A_36, %get3A_37, %get3A_38] : memref<1x512x8xf32, #tpu.memory_space<vmem>>, vector<1x512x8xf32>
      %get3A_40 = vector.shape_cast %get3A_39 : vector<1x512x8xf32> to vector<512x8xf32>
      %get3A_41 = arith.constant 0 : index
      %get3A_42 = arith.constant 0 : index
      %get3A_43 = arith.constant 0 : index
      %get3A_44 = vector.load %arg9[%get3A_41, %get3A_42, %get3A_43] : memref<1x8x1024xf32, #tpu.memory_space<vmem>>, vector<1x8x1024xf32>
      %get3A_45 = vector.shape_cast %get3A_44 : vector<1x8x1024xf32> to vector<8x1024xf32>
      %dot_general3A_46 = arith.constant dense<0.000000e+00> : vector<512x1024xf32>
      %dot_general3A_47 = tpu.matmul %get3A_40, %get3A_45, %dot_general3A_46 {dimension_numbers = #tpu.dot_dimension_numbers<[1], [0], [0], [1], [0, 0, 1, 1], [], []>, transpose_lhs_hint = false} : vector<512x8xf32>, vector<8x1024xf32>, vector<512x1024xf32> -> vector<512x1024xf32>
      %add3A_48 = arith.addf %get3A_35, %dot_general3A_47 : vector<512x1024xf32>
      %convert_element_type3A_49 = arith.truncf %add3A_48 : vector<512x1024xf32> to vector<512x1024xbf16>
      %swap3A_50 = arith.constant 512 : index
      %swap3A_51 = arith.constant 0 : index
      %swap3A_52 = vector.load %arg14[%swap3A_50, %swap3A_51] : memref<1024x1024xbf16, #tpu.memory_space<vmem>>, vector<512x1024xbf16>
      tpu.vector_store %arg14[%swap3A_50, %swap3A_51], %convert_element_type3A_49 {strides = array<i32>} : memref<1024x1024xbf16, #tpu.memory_space<vmem>>, vector<512x1024xbf16>,
      %get3A_53 = arith.constant 0 : index
      %get3A_54 = arith.constant 0 : index
      %get3A_55 = arith.constant 0 : index
      %get3A_56 = vector.load %arg6[%get3A_53, %get3A_54, %get3A_55] : memref<1x1024x512xf32, #tpu.memory_space<vmem>>, vector<1x1024x512xf32>
      %get3A_57 = vector.shape_cast %get3A_56 : vector<1x1024x512xf32> to vector<1024x512xf32>
      %get3A_58 = arith.constant 0 : index
      %get3A_59 = arith.constant 0 : index
      %get3A_60 = arith.constant 0 : index
      %get3A_61 = vector.load %arg12[%get3A_58, %get3A_59, %get3A_60] : memref<1x1024x8xf32, #tpu.memory_space<vmem>>, vector<1x1024x8xf32>
      %get3A_62 = vector.shape_cast %get3A_61 : vector<1x1024x8xf32> to vector<1024x8xf32>
      %get3A_63 = arith.constant 0 : index
      %get3A_64 = arith.constant 0 : index
      %get3A_65 = arith.constant 0 : index
      %get3A_66 = vector.load %arg11[%get3A_63, %get3A_64, %get3A_65] : memref<1x8x512xf32, #tpu.memory_space<vmem>>, vector<1x8x512xf32>
      %get3A_67 = vector.shape_cast %get3A_66 : vector<1x8x512xf32> to vector<8x512xf32>
      %dot_general3A_68 = arith.constant dense<0.000000e+00> : vector<1024x512xf32>
      %dot_general3A_69 = tpu.matmul %get3A_62, %get3A_67, %dot_general3A_68 {dimension_numbers = #tpu.dot_dimension_numbers<[1], [0], [0], [1], [0, 0, 1, 1], [], []>, transpose_lhs_hint = false} : vector<1024x8xf32>, vector<8x512xf32>, vector<1024x512xf32> -> vector<1024x512xf32>
      %add3A_70 = arith.addf %get3A_57, %dot_general3A_69 : vector<1024x512xf32>
      %convert_element_type3A_71 = arith.truncf %add3A_70 : vector<1024x512xf32> to vector<1024x512xbf16>
      %swap3A_72 = arith.constant 0 : index
      %swap3A_73 = arith.constant 0 : index
      %swap3A_74 = vector.load %arg15[%swap3A_72, %swap3A_73] : memref<1024x512xbf16, #tpu.memory_space<vmem>>, vector<1024x512xbf16>
      tpu.vector_store %arg15[%swap3A_72, %swap3A_73], %convert_element_type3A_71 {strides = array<i32>} : memref<1024x512xbf16, #tpu.memory_space<vmem>>, vector<1024x512xbf16>,
    } else {
    }
    %get3A_7 = arith.constant 0 : index
    %get3A_8 = memref.load %arg2[%get3A_7] : memref<1xi32, #tpu.memory_space<smem>>
    %lt3A = arith.cmpi slt, %arg0, %get3A_8 : i32
    %convert_element_type3A_9 = arith.extui %lt3A : i1 to i32
    %cond3A_10 = arith.constant 0 : i32
    %cond3A_11 = arith.cmpi ne, %convert_element_type3A_9, %cond3A_10 : i32
    scf.if %cond3A_11 {
      %get3A_12 = arith.constant 0 : index
      %get3A_13 = arith.constant 0 : index
      %get3A_14 = vector.load %arg3[%get3A_12, %get3A_13] : memref<256x1024xf32, #tpu.memory_space<vmem>>, vector<256x1024xf32>
      %convert_element_type3A_15 = arith.truncf %get3A_14 : vector<256x1024xf32> to vector<256x1024xbf16>
      %get3A_16 = arith.constant 0 : index
      %get3A_17 = arith.constant 0 : index
      %get3A_18 = vector.load %arg14[%get3A_16, %get3A_17] : memref<1024x1024xbf16, #tpu.memory_space<vmem>>, vector<1024x1024xbf16>
      %dot_general3A = arith.constant dense<0.000000e+00> : vector<256x1024xf32>
      %dot_general3A_19 = tpu.matmul %convert_element_type3A_15, %get3A_18, %dot_general3A {dimension_numbers = #tpu.dot_dimension_numbers<[1], [1], [0], [0], [0, 0, 1, 0], [], []>, transpose_lhs_hint = false} : vector<256x1024xbf16>, vector<1024x1024xbf16>, vector<256x1024xf32> -> vector<256x1024xf32>
      %slice3A = vector.extract_strided_slice %dot_general3A_19 {offsets = [0, 0], sizes = [256, 512], strides = [1, 1]} : vector<256x1024xf32> to vector<256x512xf32>
      %slice3A_20 = vector.extract_strided_slice %dot_general3A_19 {offsets = [0, 512], sizes = [256, 512], strides = [1, 1]} : vector<256x1024xf32> to vector<256x512xf32>
      %neg3A = arith.constant 0.000000e+00 : f32
      %neg3A_21 = vector.broadcast %neg3A : f32 to vector<256x512xf32>
      %neg3A_22 = arith.subf %neg3A_21, %slice3A : vector<256x512xf32>
      %exp3A = math.exp %neg3A_22 : vector<256x512xf32>
      %add3A = arith.constant 1.000000e+00 : f32
      %add3A_23 = vector.broadcast %add3A : f32 to vector<256x512xf32>
      %add3A_24 = arith.addf %add3A_23, %exp3A : vector<256x512xf32>
      %div3A = arith.constant 1.000000e+00 : f32
      %div3A_25 = vector.broadcast %div3A : f32 to vector<256x512xf32>
      %div3A_26 = arith.divf %div3A_25, %add3A_24 : vector<256x512xf32>
      %mul3A = arith.mulf %slice3A, %div3A_26 : vector<256x512xf32>
      %mul3A_27 = arith.mulf %mul3A, %slice3A_20 : vector<256x512xf32>
      %convert_element_type3A_28 = arith.truncf %mul3A_27 : vector<256x512xf32> to vector<256x512xbf16>
      %get3A_29 = arith.constant 0 : index
      %get3A_30 = arith.constant 0 : index
      %get3A_31 = vector.load %arg15[%get3A_29, %get3A_30] : memref<1024x512xbf16, #tpu.memory_space<vmem>>, vector<1024x512xbf16>
      %dot_general3A_32 = arith.constant dense<0.000000e+00> : vector<256x1024xf32>
      %dot_general3A_33 = tpu.matmul %convert_element_type3A_28, %get3A_31, %dot_general3A_32 {dimension_numbers = #tpu.dot_dimension_numbers<[1], [1], [0], [0], [0, 0, 1, 0], [], []>, transpose_lhs_hint = false} : vector<256x512xbf16>, vector<1024x512xbf16>, vector<256x1024xf32> -> vector<256x1024xf32>
      %swap3A = arith.constant 0 : index
      %swap3A_34 = arith.constant 0 : index
      %swap3A_35 = vector.load %arg13[%swap3A, %swap3A_34] : memref<256x1024xf32, #tpu.memory_space<vmem>>, vector<256x1024xf32>
      tpu.vector_store %arg13[%swap3A, %swap3A_34], %dot_general3A_33 {strides = array<i32>} : memref<256x1024xf32, #tpu.memory_space<vmem>>, vector<256x1024xf32>,
    } else {
    }
    return
  }
  func.func @transform_0(%arg0: i32, %arg1: memref<128xi32, #tpu.memory_space<smem>>, %arg2: memref<1xi32, #tpu.memory_space<smem>>) -> (i32, i32) {
    %c0_i32 = arith.constant 0 : i32
    %c0_i32_0 = arith.constant 0 : i32
    return %arg0, %c0_i32 : i32, i32
  }
  func.func @transform_1(%arg0: i32, %arg1: memref<128xi32, #tpu.memory_space<smem>>, %arg2: memref<1xi32, #tpu.memory_space<smem>>) -> (i32, i32, i32) {
    %get3A = arith.index_cast %arg0 : i32 to index
    %get3A_0 = memref.load %arg1[%get3A] : memref<128xi32, #tpu.memory_space<smem>>
    %c0_i32 = arith.constant 0 : i32
    %c0_i32_1 = arith.constant 0 : i32
    %c0_i32_2 = arith.constant 0 : i32
    return %get3A_0, %c0_i32, %c0_i32_1 : i32, i32, i32
  }
  func.func @transform_2(%arg0: i32, %arg1: memref<128xi32, #tpu.memory_space<smem>>, %arg2: memref<1xi32, #tpu.memory_space<smem>>) -> (i32, i32, i32) {
    %get3A = arith.index_cast %arg0 : i32 to index
    %get3A_0 = memref.load %arg1[%get3A] : memref<128xi32, #tpu.memory_space<smem>>
    %c0_i32 = arith.constant 0 : i32
    %c0_i32_1 = arith.constant 0 : i32
    %c0_i32_2 = arith.constant 0 : i32
    return %get3A_0, %c0_i32, %c0_i32_1 : i32, i32, i32
  }
  func.func @transform_3(%arg0: i32, %arg1: memref<128xi32, #tpu.memory_space<smem>>, %arg2: memref<1xi32, #tpu.memory_space<smem>>) -> (i32, i32, i32) {
    %get3A = arith.index_cast %arg0 : i32 to index
    %get3A_0 = memref.load %arg1[%get3A] : memref<128xi32, #tpu.memory_space<smem>>
    %c0_i32 = arith.constant 0 : i32
    %c0_i32_1 = arith.constant 0 : i32
    %c0_i32_2 = arith.constant 0 : i32
    return %get3A_0, %c0_i32, %c0_i32_1 : i32, i32, i32
  }
  func.func @transform_4(%arg0: i32, %arg1: memref<128xi32, #tpu.memory_space<smem>>, %arg2: memref<1xi32, #tpu.memory_space<smem>>) -> (i32, i32, i32) {
    %get3A = arith.index_cast %arg0 : i32 to index
    %get3A_0 = memref.load %arg1[%get3A] : memref<128xi32, #tpu.memory_space<smem>>
    %c0_i32 = arith.constant 0 : i32
    %c0_i32_1 = arith.constant 0 : i32
    %c0_i32_2 = arith.constant 0 : i32
    return %get3A_0, %c0_i32, %c0_i32_1 : i32, i32, i32
  }
  func.func @transform_5(%arg0: i32, %arg1: memref<128xi32, #tpu.memory_space<smem>>, %arg2: memref<1xi32, #tpu.memory_space<smem>>) -> (i32, i32, i32) {
    %get3A = arith.index_cast %arg0 : i32 to index
    %get3A_0 = memref.load %arg1[%get3A] : memref<128xi32, #tpu.memory_space<smem>>
    %c0_i32 = arith.constant 0 : i32
    %c0_i32_1 = arith.constant 0 : i32
    %c0_i32_2 = arith.constant 0 : i32
    return %get3A_0, %c0_i32, %c0_i32_1 : i32, i32, i32
  }
  func.func @transform_6(%arg0: i32, %arg1: memref<128xi32, #tpu.memory_space<smem>>, %arg2: memref<1xi32, #tpu.memory_space<smem>>) -> (i32, i32, i32) {
    %get3A = arith.index_cast %arg0 : i32 to index
    %get3A_0 = memref.load %arg1[%get3A] : memref<128xi32, #tpu.memory_space<smem>>
    %c0_i32 = arith.constant 0 : i32
    %c0_i32_1 = arith.constant 0 : i32
    %c0_i32_2 = arith.constant 0 : i32
    return %get3A_0, %c0_i32, %c0_i32_1 : i32, i32, i32
  }
  func.func @transform_7(%arg0: i32, %arg1: memref<128xi32, #tpu.memory_space<smem>>, %arg2: memref<1xi32, #tpu.memory_space<smem>>) -> (i32, i32, i32) {
    %get3A = arith.index_cast %arg0 : i32 to index
    %get3A_0 = memref.load %arg1[%get3A] : memref<128xi32, #tpu.memory_space<smem>>
    %c0_i32 = arith.constant 0 : i32
    %c0_i32_1 = arith.constant 0 : i32
    %c0_i32_2 = arith.constant 0 : i32
    return %get3A_0, %c0_i32, %c0_i32_1 : i32, i32, i32
  }
  func.func @transform_8(%arg0: i32, %arg1: memref<128xi32, #tpu.memory_space<smem>>, %arg2: memref<1xi32, #tpu.memory_space<smem>>) -> (i32, i32, i32) {
    %get3A = arith.index_cast %arg0 : i32 to index
    %get3A_0 = memref.load %arg1[%get3A] : memref<128xi32, #tpu.memory_space<smem>>
    %c0_i32 = arith.constant 0 : i32
    %c0_i32_1 = arith.constant 0 : i32
    %c0_i32_2 = arith.constant 0 : i32
    return %get3A_0, %c0_i32, %c0_i32_1 : i32, i32, i32
  }
  func.func @transform_9(%arg0: i32, %arg1: memref<128xi32, #tpu.memory_space<smem>>, %arg2: memref<1xi32, #tpu.memory_space<smem>>) -> (i32, i32, i32) {
    %get3A = arith.index_cast %arg0 : i32 to index
    %get3A_0 = memref.load %arg1[%get3A] : memref<128xi32, #tpu.memory_space<smem>>
    %c0_i32 = arith.constant 0 : i32
    %c0_i32_1 = arith.constant 0 : i32
    %c0_i32_2 = arith.constant 0 : i32
    return %get3A_0, %c0_i32, %c0_i32_1 : i32, i32, i32
  }
  func.func @transform_10(%arg0: i32, %arg1: memref<128xi32, #tpu.memory_space<smem>>, %arg2: memref<1xi32, #tpu.memory_space<smem>>) -> (i32, i32) {
    %c0_i32 = arith.constant 0 : i32
    %c0_i32_0 = arith.constant 0 : i32
    return %arg0, %c0_i32 : i32, i32
  }
}

module attributes {stable_mosaic.version = 14 : i64} {
  func.func @_combine_body(%arg0: i32, %arg1: memref<512x1024xf32, #tpu.memory_space<vmem>>, %arg2: memref<512x1024xf32, #tpu.memory_space<vmem>>, %arg3: memref<512x2xf32, #tpu.memory_space<vmem>>, %arg4: memref<512x1024xf32, #tpu.memory_space<vmem>>) attributes {dimension_semantics = [#tpu.dimension_semantics<arbitrary>], iteration_bounds = array<i64: 4>, scalar_prefetch = 0 : i64, scratch_operands = 0 : i64, tpu.core_type = #tpu.core_type<tc>, window_params = [{transform_indices = @transform_0, window_bounds = array<i64: 512, 1024>}, {transform_indices = @transform_1, window_bounds = array<i64: 512, 1024>}, {transform_indices = @transform_2, window_bounds = array<i64: 512, 2>}, {transform_indices = @transform_3, window_bounds = array<i64: 512, 1024>}]} {
    %get3A = arith.constant 0 : index
    %get3A_0 = arith.constant 0 : index
    %get3A_1 = vector.load %arg3[%get3A, %get3A_0] : memref<512x2xf32, #tpu.memory_space<vmem>>, vector<512x1xf32>
    %get3A_2 = arith.constant 0 : index
    %get3A_3 = arith.constant 0 : index
    %get3A_4 = vector.load %arg1[%get3A_2, %get3A_3] : memref<512x1024xf32, #tpu.memory_space<vmem>>, vector<512x1024xf32>
    %mul3A = vector.broadcast %get3A_1 : vector<512x1xf32> to vector<512x1024xf32>
    %mul3A_5 = arith.mulf %mul3A, %get3A_4 : vector<512x1024xf32>
    %get3A_6 = arith.constant 0 : index
    %get3A_7 = arith.constant 1 : index
    %get3A_8 = vector.load %arg3[%get3A_6, %get3A_7] : memref<512x2xf32, #tpu.memory_space<vmem>>, vector<512x1xf32>
    %get3A_9 = arith.constant 0 : index
    %get3A_10 = arith.constant 0 : index
    %get3A_11 = vector.load %arg2[%get3A_9, %get3A_10] : memref<512x1024xf32, #tpu.memory_space<vmem>>, vector<512x1024xf32>
    %mul3A_12 = vector.broadcast %get3A_8 : vector<512x1xf32> to vector<512x1024xf32>
    %mul3A_13 = arith.mulf %mul3A_12, %get3A_11 : vector<512x1024xf32>
    %add3A = arith.addf %mul3A_5, %mul3A_13 : vector<512x1024xf32>
    %swap3A = arith.constant 0 : index
    %swap3A_14 = arith.constant 0 : index
    %swap3A_15 = vector.load %arg4[%swap3A, %swap3A_14] : memref<512x1024xf32, #tpu.memory_space<vmem>>, vector<512x1024xf32>
    tpu.vector_store %arg4[%swap3A, %swap3A_14], %add3A {strides = array<i32>} : memref<512x1024xf32, #tpu.memory_space<vmem>>, vector<512x1024xf32>,
    return
  }
  func.func @transform_0(%arg0: i32) -> (i32, i32) {
    %c0_i32 = arith.constant 0 : i32
    %c0_i32_0 = arith.constant 0 : i32
    return %arg0, %c0_i32 : i32, i32
  }
  func.func @transform_1(%arg0: i32) -> (i32, i32) {
    %c0_i32 = arith.constant 0 : i32
    %c0_i32_0 = arith.constant 0 : i32
    return %arg0, %c0_i32 : i32, i32
  }
  func.func @transform_2(%arg0: i32) -> (i32, i32) {
    %c0_i32 = arith.constant 0 : i32
    %c0_i32_0 = arith.constant 0 : i32
    return %arg0, %c0_i32 : i32, i32
  }
  func.func @transform_3(%arg0: i32) -> (i32, i32) {
    %c0_i32 = arith.constant 0 : i32
    %c0_i32_0 = arith.constant 0 : i32
    return %arg0, %c0_i32 : i32, i32
  }
}

</mosaic_0001>

<sc_bundles>
// kernel: kernel.10.cloned.1.call-start
scs
__scs_entry_jumppad:
0x0: {  	(pc) =	sbr.rel $0x88, $3  }
0x1: {  	(tag) =	ssettag $0x0;
	lr =	simm.s32 $0x1  }
0x2: {  	[smem:$0x3F96] =	sst lr;
	_ =	strace $0xD0000000  }
0x3: {  	_ = 	snop  }
0x4: {  	_ = 	snop  }
0x5: {  	_ = 	snop  }
0x6: {  	_ = 	snop  }
0x7: {  	_ = 	snop  }
__scs_overlays_trampoline_lowered:
0x8: {  	[smem:$0x3FA5] =	sst s0  }
0x9: {  	[smem:$0x3FA6] =	sst s1  }
0xa: {  	[smem:$0x3FA7] =	sst s2  }
0xb: {  	[smem:$0x3FA8] =	sst s3  }
0xc: {  	[smem:$0x3FA9] =	sst s4  }
0xd: {  	[smem:$0x3FAA] =	sst s5  }
0xe: {  	[smem:$0x3FAB] =	sst s6  }
0xf: {  	[smem:$0x3FAC] =	sst s7  }
0x10: {  	[smem:$0x3FAD] =	sst s8  }
0x11: {  	[smem:$0x3FAE] =	sst s9;
	s0 =	simm.s32 @!p0 $0x0  }
0x12: {  	s1 =	sld [smem:$0x3F94];
	s0 =	simm.s32 @p0 $0x1  }
0x13: {  	[smem:$0x3FAF] =	sst s0;
	s0 =	simm.s32 @!p1 $0x0  }
0x14: {  	s2 =	sld [smem:$0x3F93];
	s0 =	simm.s32 @p1 $0x1  }
0x15: {  	[smem:$0x3FB0] =	sst s0;
	s0 =	simm.s32 @!p2 $0x0  }
0x16: {  	s3 =	sld [smem:$0x3FDB];
	s0 =	simm.s32 @p2 $0x1  }
0x17: {  	s4 =	simm.s32 $0x1BF5;
	[smem:$0x3FB2] =	sst s0  }
0x18: {  	s0 =	sld [smem:$0x3F95];
	_ =	swait.ge [sflag:s4], $0x0  }
0x19: {  	s7 =	sld [smem:$0x3F96]  }
0x1a: {  	s8 =	sadd.s32 $0xFFFFE003, lr  }
0x1b: {  	s9 =	sadd.s32 $0xFFFFFEF7, lr;
	s5 =	simm.s32 $0xFFFFFFFF;
	p2 =	slt.u32 s8, $0xFFFFF086  }
0x1c: {  	p1 =	slt.u32 s9, $0xF7A;
	s5 =	simm.s32 @!p2 $0x0  }
0x1d: {  	s5 =	simm.s32 @p1 $0x1;
	p0 =	seq.s32 s7, s2  }
0x1e: {  	s7 =	smul.u32 @!p0 $0xF7A, s2;
	p2 =	seq.s32 @!p0 s5, $0x0  }
0x1f: {  	s9 =	smul.u32 $0xF7A, s1;
	s8 =	simm.s32 @!p0 $0x1BF5;
	p2 =	por !p2, p0  }
0x20: {  	[sflag:s8] =	ssyncset.s32 @!p0 $0xFFFFF086;
	s6 =	sadd.s32 @!p0 s3, s7;
	s7 =	simm.s32 @!p0 $0x108  }
0x21: {  	s3 =	sadd.s32 s3, s9;
	s6 =	sadd.s32 @!p0 $0x88, s6;
	s7 =	simm.s32 @p2 $0x1082  }
0x22: {  	[simem:s7], [sflag:s8] =	dma.local @!p0 [hbm:s6], $0xF7A  }
0x23: {  	s9 =	sor.u32 $0xD0000000, s2;
	s6 =	simm.s32 $0x108;
	_ =	swait.ge @!p0 [sflag:s8], $0x0  }
0x24: {  	s3 =	sadd.s32 $0x88, s3;
	s6 =	simm.s32 @!p1 $0x1082;
	[sflag:s4] =	ssyncset.s32 $0xFFFFF086  }
0x25: {  	[simem:s6], [sflag:s4] =	dma.local [hbm:s3], $0xF7A  }
0x26: {  	[smem:$0x3F96] =	sst s1;
	(tag) =	ssettag s2;
	_ =	strace s9  }
0x27: {  	s1 =	sld [smem:$0x3FA6]  }
0x28: {  	s2 =	sld [smem:$0x3FA7]  }
0x29: {  	s4 =	sld [smem:$0x3FA9]  }
0x2a: {  	p0 =	seq.s32 s5, $0x0;
	s5 =	sld [smem:$0x3FAA]  }
0x2b: {  	s6 =	sld [smem:$0x3FAB]  }
0x2c: {  	s7 =	sld [smem:$0x3FAC]  }
0x2d: {  	s3 =	simm.s32 $0x108;
	s8 =	sld [smem:$0x3FAD]  }
0x2e: {  	s3 =	simm.s32 @!p0 $0x1082;
	s9 =	sld [smem:$0x3FAE]  }
0x2f: {  	lr =	sadd.s32 s0, s3;
	s0 =	sld [smem:$0x3FA5]  }
0x30: {  	s3 =	sld [smem:$0x3FA8]  }
0x31: {  	[smem:$0x3FB1] =	sst s10  }
0x32: {  	s10 =	sld [smem:$0x3FAF];
	_ =	sdelay $0x3  }
0x33: {  	p0 =	seq.s32 s10, $0x1;
	s10 =	sld [smem:$0x3FB1];
	_ =	sdelay $0x3  }
0x34: {  	[smem:$0x3FB1] =	sst s10  }
0x35: {  	s10 =	sld [smem:$0x3FB0];
	_ =	sdelay $0x3  }
0x36: {  	p1 =	seq.s32 s10, $0x1;
	s10 =	sld [smem:$0x3FB1];
	_ =	sdelay $0x3  }
0x37: {  	[smem:$0x3FB1] =	sst s10  }
0x38: {  	s10 =	sld [smem:$0x3FB2]  }
0x39: {  	_ = 	snop;
	(pc) =	sbr.ind lr, $3  }
0x3a: {  	_ = 	snop  }
0x3b: {  	_ = 	snop  }
0x3c: {  	p2 =	seq.s32 s10, $0x1;
	s10 =	sld [smem:$0x3FB1]  }
0x3d: {  	_ =	shalt  }
0x3e: {  	_ =	shalt  }
0x3f: {  	_ =	shalt  }
0x40: {  	_ =	shalt  }
0x41: {  	_ =	shalt  }
0x42: {  	_ =	shalt  }
0x43: {  	_ =	shalt  }
0x44: {  	_ =	shalt  }
0x45: {  	_ =	shalt  }
0x46: {  	_ =	shalt  }
0x47: {  	_ =	shalt  }
0x48: {  	_ =	shalt  }
0x49: {  	_ =	shalt  }
0x4a: {  	_ =	shalt  }
0x4b: {  	_ =	shalt  }
0x4c: {  	_ =	shalt  }
0x4d: {  	_ =	shalt  }
0x4e: {  	_ =	shalt  }
0x4f: {  	_ =	shalt  }
0x50: {  	_ =	shalt  }
0x51: {  	_ =	shalt  }
0x52: {  	_ =	shalt  }
0x53: {  	_ =	shalt  }
0x54: {  	_ =	shalt  }
0x55: {  	_ =	shalt  }
0x56: {  	_ =	shalt  }
0x57: {  	_ =	shalt  }
0x58: {  	_ =	shalt  }
0x59: {  	_ =	shalt  }
0x5a: {  	_ =	shalt  }
0x5b: {  	_ =	shalt  }
0x5c: {  	_ =	shalt  }
0x5d: {  	_ =	shalt  }
0x5e: {  	_ =	shalt  }
0x5f: {  	_ =	shalt  }
0x60: {  	_ =	shalt  }
0x61: {  	_ =	shalt  }
0x62: {  	_ =	shalt  }
0x63: {  	_ =	shalt  }
0x64: {  	_ =	shalt  }
0x65: {  	_ =	shalt  }
0x66: {  	_ =	shalt  }
0x67: {  	_ =	shalt  }
0x68: {  	_ =	shalt  }
0x69: {  	_ =	shalt  }
0x6a: {  	_ =	shalt  }
0x6b: {  	_ =	shalt  }
0x6c: {  	_ =	shalt  }
0x6d: {  	_ =	shalt  }
0x6e: {  	_ =	shalt  }
0x6f: {  	_ =	shalt  }
0x70: {  	_ =	shalt  }
0x71: {  	_ =	shalt  }
0x72: {  	_ =	shalt  }
0x73: {  	_ =	shalt  }
0x74: {  	_ =	shalt  }
0x75: {  	_ =	shalt  }
0x76: {  	_ =	shalt  }
0x77: {  	_ =	shalt  }
0x78: {  	_ =	shalt  }
0x79: {  	_ =	shalt  }
0x7a: {  	_ =	shalt  }
0x7b: {  	_ =	shalt  }
0x7c: {  	_ =	shalt  }
0x7d: {  	_ =	shalt  }
0x7e: {  	_ =	shalt  }
0x7f: {  	_ =	shalt  }
0x80: {  	_ =	shalt  }
0x81: {  	_ =	shalt  }
0x82: {  	_ =	shalt  }
0x83: {  	_ =	shalt  }
0x84: {  	_ =	shalt  }
0x85: {  	_ =	shalt  }
0x86: {  	_ =	shalt  }
0x87: {  	_ =	shalt  }
.Lfunc_end0:
.L_simem_size_0:
called_computation.1_lowered:
.L_overlay_start_0:
0x88: {  	s2 =	sld [smem:$0x3FD9]  }
0x89: {  	s3 =	sld [smem:$0x3FFE];
	_ =	sdelay $0x1  }
0x8a: {  	s1 =	srdreg.scid  }
0x8b: {  	s0 =	sand.u32 $0x1, s1  }
0x8c: {  	s17 =	sshll.u32 s0, $0xA;
	s2 =	sadd.s32 s3, s2  }
0x8d: {  	s2 =	sadd.s32 s2, s17  }
0x8e: {  	[smem:$0x3FBD] =	sst s2  }
0x8f: {  	_ = 	snop  }
0x90: {  	s2 =	sld [smem:$0x3FD0];
	(tm) =	ssettm $0x1  }
0x91: {  	s18 =	sld [smem:$0x3FFB];
	_ =	sdelay $0x3  }
0x92: {  	_ =	strace s18  }
0x93: {  	s3 =	sld [smem:$0x3FFC];
	_ =	sdelay $0x3  }
0x94: {  	_ =	strace s3  }
0x95: {  	s3 =	sld [smem:$0x3FFD];
	_ =	sdelay $0x3  }
0x96: {  	_ =	strace s3  }
0x97: {  	_ =	strace $0x8FFFFFFF  }
0x98: {  	s19 =	sld [smem:$0x3FDB];
	_ =	sdelay $0x1  }
0x99: {  	s4 =	simm.s32 $_scs_section_size  }
0x9a: {  	s5 =	simm.s32 $_size__tile_overlayer_lowered;
	s6 =	simm.s32 $_tile_overlayer_lowered  }
0x9b: {  	s22 =	simm.s32 $0x1BFF;
	s21 =	sshll.u32 s6, $0x1;
	s3 =	sadd.s32 s4, s19  }
0x9c: {  	s7 =	simm.s32 $0x0;
	s20 =	sshll.u32 s5, $0x1;
	s5 =	sadd.s32 s21, s3  }
0x9d: {  	[timem:s7], [sflag:s22] =	dma.local [hbm:s5], s20  }
0x9e: {  	_ =	swait.ge [sflag:s22], s20  }
0x9f: {  	s4 =	ssub.s32 $0x0, s20;
	[sflag:s22] =	ssyncset.done $0x0  }
0xa0: {  	[sflag:s22] =	ssyncadd.s32 s4;
	_ =	sdelay $0x1  }
0xa1: {  	s23 =	simm.s32 $0x1B8B  }
0xa2: {  	_ =	swait.ge [sflag:s23], $0x1  }
0xa3: {  	[sflag:s23] =	ssyncset.done $0x0  }
0xa4: {  	s25 =	simm.s32 $0x1B8E;
	s24 =	sld [smem:$0x3FFE];
	[sflag:s23] =	ssyncadd.s32 $0xFFFFFFFF  }
0xa5: {  	s26 =	simm.s32 $execute0_lowered;
	[smem:$0x3FD2] =	sst s25  }
0xa6: {  	s5 =	sshll.u32 s26, $0x1;
	_ =	strace $0x80000049;
	[dreg:$0x1] =	wrdreg $0xFFFFFFFF  }
0xa7: {  	s28 =	simm.s32 $_size_execute0_lowered;
	s3 =	sadd.s32 s3, s5;
	[dreg:$0x0] =	wrdreg $0x0  }
0xa8: {  	s5 =	sshll.u32 s28, $0x1;
	[dreg:$0x2] =	wrdreg s3  }
0xa9: {  	[dreg:$0x3] =	wrdreg s5  }
0xaa: {  	[dreg:$0x4] =	wrdreg $0xC0  }
0xab: {  	_ =	task [dreg:s7], $0x5FFFF  }
0xac: {  	[dreg:$0x1] =	wrdreg $0xFFFFFFFF  }
0xad: {  	[dreg:$0x0] =	wrdreg $0x60  }
0xae: {  	[dreg:$0x2] =	wrdreg s24  }
0xaf: {  	[dreg:$0x3] =	wrdreg s2  }
0xb0: {  	[dreg:$0x4] =	wrdreg $0x9  }
0xb1: {  	_ =	task.clear_ibuf [dreg:s7], $0x5FFFF;
	_ =	strace $0x90000049  }
0xb2: {  	s29 =	simm.s32 $0x9;
	_ =	strace $0x8000004B  }
0xb3: {  	_ =	swait.ge [sflag:s29], $0x1  }
0xb4: {  	[sflag:s29] =	ssyncadd.s32 $0xFFFFFFFF  }
0xb5: {  	_ =	strace $0x9000004B  }
0xb6: {  	_ =	sfence  }
0xb7: {  	s30 =	sld [smem:$0x0];
	_ =	sdelay $0x2  }
0xb8: {  	s31 =	sshll.u32 s1, $0xD;
	s1 =	sshrl.u32 s1, $0x2  }
0xb9: {  	s3 =	sand.u32 $0x4000, s31;
	s1 =	sadd.s32 s1, s30  }
0xba: {  	s0 =	sor.u32 s3, s0;
	s1 =	sshll.u32 s1, $0x11  }
0xbb: {  	s0 =	sor.u32 s1, s0  }
0xbc: {  	s0 =	sadd.s32 $0x8F2B, s0  }
0xbd: {  	[sflag:s0] =	ssyncadd.remote.s32 $0x1  }
0xbe: {  	_ =	sfence.sel $0xFFFF  }
0xbf: {  	[dreg:$0x0] =	wrdreg $0xFFFFFFFF;
	(pc) =	sbr.abs _section_cstart, $3  }
0xc0: {  	[dreg:$0x1] =	wrdreg $0xFFFFFFFF  }
0xc1: {  	_ =	task.clear_ibuf [dreg:s7], $0x2FFFF;
	_ =	strace $0x9FFFFFFF  }
0xc2: {  	(tm) =	ssettm $0x7FFFFFFF  }
0xc3: {  	_ =	shalt  }
tec
execute0_lowered:
.L_overlay_start_1:
0x0: {  	(tag) =	ssettag $0x1  }
0x1: {  	s0 =	rddreg [dreg:$0x0]  }
0x2: {  	s1 =	rddreg [dreg:$0x1];
	s3 =	srdreg.scid  }
0x3: {  	s2 =	simm.s32 $0x0;
	s5 =	stileid.u32;
	s18 =	simm.s32 $0x1  }
0x4: {  	s20 =	simm.s32 $0x880;
	s21 =	simm.s32 $0x1080;
	s28 =	simm.s32 $0x4080  }
0x5: {  	s29 =	simm.s32 $0x4880;
	s30 =	simm.s32 $0x5080;
	s31 =	simm.s32 $0x5880  }
0x6: {  	s10 =	simm.s32 $0x7080;
	s11 =	simm.s32 $0x7880;
	s12 =	simm.s32 $0x8080  }
0x7: {  	s13 =	simm.s32 $0x8880;
	s14 =	simm.s32 $0x9080;
	s15 =	simm.s32 $0x9880  }
0x8: {  	s16 =	simm.s32 $0xA080;
	s17 =	simm.s32 $0xA880;
	s9 =	simm.s32 $0xB080  }
0x9: {  	s4 =	sand.u32 $0x1, s3;
	[smem:$0x7FF] =	sst s2;
	s22 =	sshll.u32 s5, $0x7  }
0xa: {  	s3 =	sadd.s32 $0xC1400, s0;
	s23 =	sshll.u32 s4, $0x6;
	s4 =	ssub.s32 $0x2, s4  }
0xb: {  	_ =	strace $0x8000004A;
	s5 =	sor.u32 s23, s22;
	s7 =	sshrl.u32 s4, $0x1  }
0xc: {  	s22 =	simm.s32 $0x1880;
	s23 =	simm.s32 $0x2080;
	s6 =	sshrl.u32 s5, $0x3  }
0xd: {  	s5 =	sshll.u32 s5, $0x7;
	s7 =	ssub.s32 s4, s7;
	s4 =	sadd.s32 $0xC1500, s0  }
0xe: {  	s6 =	sadd.s32 s6, s0;
	s8 =	sadd.s32 s5, s0;
	s1 =	sadd.s32 s1, s5  }
0xf: {  	s5 =	sadd.s32 $0xC1600, s0;
	s24 =	sadd.s32 $0x1000, s6;
	[dreg:$0x4] =	wrdreg s1  }
0x10: {  	s7 =	smax.u32 s7, $0x1;
	s25 =	sadd.s32 $0x1200, s6;
	[dreg:$0x3] =	wrdreg s24  }
0x11: {  	v2 =	vlaneseq.u32;
	s6 =	sadd.s32 $0xC1700, s0;
	s26 =	sadd.s32 $0x1400, s8;
	[dreg:$0x5] =	wrdreg s25  }
0x12: {  	vm0 =	vmmov $0xffff;
	v1 =	vshrl.u32 v2, $0x3;
	s8 =	simm.s32 $0x2;
	s0 =	simm.s32 $0x80;
	[dreg:$0x6] =	wrdreg s26  }
0x13: {  	v0 =	vand.u32 $0x7, v2;
	v2 =	vor.u32 $0x8, v2;
	v1 =	vmul.u32 $0x8, v1;
	s24 =	simm.s32 $0x2880;
	s25 =	simm.s32 $0x3080;
	s26 =	simm.s32 $0x3880  }
.LBB2_1:
0x14: {  	s19 =	rddreg [dreg:$0x3]  }
0x15: {  	[tilespmem:s2], [sflag:$0x2] =	stream.linear.gather [hbm4b:s19+s2], $0x40, $0x38;
	[tilespmem:$0x10080] =	vst v63  }
0x16: {  	_ =	swait.ge [sflag:s8], $0x40  }
0x17: {  	[sflag:s8] =	ssyncset.done $0x0  }
0x18: {  	[sflag:s8] =	ssyncadd.s32 $0xFFFFFFC0  }
0x19: {  	v3 =	vld [tilespmem:$0x0];
	_ =	sdelay $0x4  }
0x1a: {  	v4 =	vshll.u32 v3, $0x3  }
0x1b: {  	v3 =	vand.u32 $0x7, v3;
	v4 =	vand.u32 $0xFFFFFFC0, v4  }
0x1c: {  	v3 =	vor.u32 v3, v4  }
0x1d: {  	v4 =	vperm.xlane v3, v0;
	_ =	sdelay $0x1  }
0x1e: {  	v4 =	vadd.s32 v1, v4;
	_ =	sdelay $0x4  }
0x1f: {  	[tilespmem:s0], [sflag:$0x1] =	stream.indirect_vreg.gather [hbm4b:s3+s2], $0x80, v4, vm0, $0xb8;
	[tilespmem:$0x10080] =	vst v63  }
0x20: {  	v3 =	vperm.xlane v3, v2  }
0x21: {  	[tilespmem:s20], [sflag:$0x1] =	stream.indirect_vreg.gather [hbm4b:s4+s2], $0x80, v4, vm0, $0xb8;
	[tilespmem:$0x10080] =	vst v63  }
0x22: {  	v3 =	vadd.s32 v1, v3  }
0x23: {  	[tilespmem:s21], [sflag:$0x1] =	stream.indirect_vreg.gather [hbm4b:s5+s2], $0x80, v4, vm0, $0xb8;
	[tilespmem:$0x10080] =	vst v63  }
0x24: {  	_ = 	snop  }
0x25: {  	[tilespmem:s22], [sflag:$0x1] =	stream.indirect_vreg.gather [hbm4b:s6+s2], $0x80, v4, vm0, $0xb8;
	[tilespmem:$0x10080] =	vst v63  }
0x26: {  	_ = 	snop  }
0x27: {  	[tilespmem:s23], [sflag:$0x1] =	stream.indirect_vreg.gather [hbm4b:s3+s2], $0x80, v3, vm0, $0xb8;
	[tilespmem:$0x10080] =	vst v63  }
0x28: {  	_ = 	snop  }
0x29: {  	[tilespmem:s24], [sflag:$0x1] =	stream.indirect_vreg.gather [hbm4b:s4+s2], $0x80, v3, vm0, $0xb8;
	[tilespmem:$0x10080] =	vst v63  }
0x2a: {  	_ = 	snop  }
0x2b: {  	[tilespmem:s25], [sflag:$0x1] =	stream.indirect_vreg.gather [hbm4b:s5+s2], $0x80, v3, vm0, $0xb8;
	[tilespmem:$0x10080] =	vst v63  }
0x2c: {  	_ = 	snop  }
0x2d: {  	[tilespmem:s26], [sflag:$0x1] =	stream.indirect_vreg.gather [hbm4b:s6+s2], $0x80, v3, vm0, $0xb8;
	[tilespmem:$0x10080] =	vst v63  }
0x2e: {  	v3 =	vld [tilespmem:$0x10];
	_ =	sdelay $0x4  }
0x2f: {  	v57 =	vshll.u32 v3, $0x3  }
0x30: {  	v3 =	vand.u32 $0x7, v3;
	v4 =	vand.u32 $0xFFFFFFC0, v57  }
0x31: {  	v3 =	vor.u32 v3, v4  }
0x32: {  	v4 =	vperm.xlane v3, v0;
	_ =	sdelay $0x1  }
0x33: {  	v4 =	vadd.s32 v1, v4;
	_ =	sdelay $0x4  }
0x34: {  	[tilespmem:s28], [sflag:$0x1] =	stream.indirect_vreg.gather [hbm4b:s3+s2], $0x80, v4, vm0, $0xb8;
	[tilespmem:$0x10080] =	vst v63  }
0x35: {  	v3 =	vperm.xlane v3, v2  }
0x36: {  	[tilespmem:s29], [sflag:$0x1] =	stream.indirect_vreg.gather [hbm4b:s4+s2], $0x80, v4, vm0, $0xb8;
	[tilespmem:$0x10080] =	vst v63  }
0x37: {  	v3 =	vadd.s32 v1, v3  }
0x38: {  	[tilespmem:s30], [sflag:$0x1] =	stream.indirect_vreg.gather [hbm4b:s5+s2], $0x80, v4, vm0, $0xb8;
	[tilespmem:$0x10080] =	vst v63  }
0x39: {  	_ = 	snop  }
0x3a: {  	[tilespmem:s31], [sflag:$0x1] =	stream.indirect_vreg.gather [hbm4b:s6+s2], $0x80, v4, vm0, $0xb8;
	[tilespmem:$0x10080] =	vst v63  }
0x3b: {  	s1 =	simm.s32 $0x6080  }
0x3c: {  	[tilespmem:s1], [sflag:$0x1] =	stream.indirect_vreg.gather [hbm4b:s3+s2], $0x80, v3, vm0, $0xb8;
	[tilespmem:$0x10080] =	vst v63  }
0x3d: {  	s1 =	simm.s32 $0x6880  }
0x3e: {  	[tilespmem:s1], [sflag:$0x1] =	stream.indirect_vreg.gather [hbm4b:s4+s2], $0x80, v3, vm0, $0xb8;
	[tilespmem:$0x10080] =	vst v63  }
0x3f: {  	_ = 	snop  }
0x40: {  	[tilespmem:s10], [sflag:$0x1] =	stream.indirect_vreg.gather [hbm4b:s5+s2], $0x80, v3, vm0, $0xb8;
	[tilespmem:$0x10080] =	vst v63  }
0x41: {  	_ = 	snop  }
0x42: {  	[tilespmem:s11], [sflag:$0x1] =	stream.indirect_vreg.gather [hbm4b:s6+s2], $0x80, v3, vm0, $0xb8;
	[tilespmem:$0x10080] =	vst v63  }
0x43: {  	v3 =	vld [tilespmem:$0x20];
	_ =	sdelay $0x4  }
0x44: {  	v58 =	vshll.u32 v3, $0x3  }
0x45: {  	v3 =	vand.u32 $0x7, v3;
	v4 =	vand.u32 $0xFFFFFFC0, v58  }
0x46: {  	v3 =	vor.u32 v3, v4  }
0x47: {  	v4 =	vperm.xlane v3, v0;
	_ =	sdelay $0x1  }
0x48: {  	v4 =	vadd.s32 v1, v4;
	_ =	sdelay $0x4  }
0x49: {  	[tilespmem:s12], [sflag:$0x1] =	stream.indirect_vreg.gather [hbm4b:s3+s2], $0x80, v4, vm0, $0xb8;
	[tilespmem:$0x10080] =	vst v63  }
0x4a: {  	v3 =	vperm.xlane v3, v2  }
0x4b: {  	[tilespmem:s13], [sflag:$0x1] =	stream.indirect_vreg.gather [hbm4b:s4+s2], $0x80, v4, vm0, $0xb8;
	[tilespmem:$0x10080] =	vst v63  }
0x4c: {  	v3 =	vadd.s32 v1, v3  }
0x4d: {  	[tilespmem:s14], [sflag:$0x1] =	stream.indirect_vreg.gather [hbm4b:s5+s2], $0x80, v4, vm0, $0xb8;
	[tilespmem:$0x10080] =	vst v63  }
0x4e: {  	_ = 	snop  }
0x4f: {  	[tilespmem:s15], [sflag:$0x1] =	stream.indirect_vreg.gather [hbm4b:s6+s2], $0x80, v4, vm0, $0xb8;
	[tilespmem:$0x10080] =	vst v63  }
0x50: {  	_ = 	snop  }
0x51: {  	[tilespmem:s16], [sflag:$0x1] =	stream.indirect_vreg.gather [hbm4b:s3+s2], $0x80, v3, vm0, $0xb8;
	[tilespmem:$0x10080] =	vst v63  }
0x52: {  	_ = 	snop  }
0x53: {  	[tilespmem:s17], [sflag:$0x1] =	stream.indirect_vreg.gather [hbm4b:s4+s2], $0x80, v3, vm0, $0xb8;
	[tilespmem:$0x10080] =	vst v63  }
0x54: {  	_ = 	snop  }
0x55: {  	[tilespmem:s9], [sflag:$0x1] =	stream.indirect_vreg.gather [hbm4b:s5+s2], $0x80, v3, vm0, $0xb8;
	[tilespmem:$0x10080] =	vst v63  }
0x56: {  	s19 =	simm.s32 $0xB880  }
0x57: {  	[tilespmem:s19], [sflag:$0x1] =	stream.indirect_vreg.gather [hbm4b:s6+s2], $0x80, v3, vm0, $0xb8;
	[tilespmem:$0x10080] =	vst v63  }
0x58: {  	v3 =	vld [tilespmem:$0x30];
	_ =	sdelay $0x4  }
0x59: {  	v59 =	vshll.u32 v3, $0x3  }
0x5a: {  	v3 =	vand.u32 $0x7, v3;
	v4 =	vand.u32 $0xFFFFFFC0, v59  }
0x5b: {  	v3 =	vor.u32 v3, v4  }
0x5c: {  	v4 =	vperm.xlane v3, v0;
	_ =	sdelay $0x1  }
0x5d: {  	v4 =	vadd.s32 v1, v4;
	_ =	sdelay $0x3  }
0x5e: {  	s19 =	simm.s32 $0xC080  }
0x5f: {  	[tilespmem:s19], [sflag:$0x1] =	stream.indirect_vreg.gather [hbm4b:s3+s2], $0x80, v4, vm0, $0xb8;
	[tilespmem:$0x10080] =	vst v63  }
0x60: {  	v3 =	vperm.xlane v3, v2;
	s19 =	simm.s32 $0xC880  }
0x61: {  	[tilespmem:s19], [sflag:$0x1] =	stream.indirect_vreg.gather [hbm4b:s4+s2], $0x80, v4, vm0, $0xb8;
	[tilespmem:$0x10080] =	vst v63  }
0x62: {  	v3 =	vadd.s32 v1, v3;
	s19 =	simm.s32 $0xD080  }
0x63: {  	[tilespmem:s19], [sflag:$0x1] =	stream.indirect_vreg.gather [hbm4b:s5+s2], $0x80, v4, vm0, $0xb8;
	[tilespmem:$0x10080] =	vst v63  }
0x64: {  	s19 =	simm.s32 $0xD880  }
0x65: {  	[tilespmem:s19], [sflag:$0x1] =	stream.indirect_vreg.gather [hbm4b:s6+s2], $0x80, v4, vm0, $0xb8;
	[tilespmem:$0x10080] =	vst v63  }
0x66: {  	s19 =	simm.s32 $0xE080  }
0x67: {  	[tilespmem:s19], [sflag:$0x1] =	stream.indirect_vreg.gather [hbm4b:s3+s2], $0x80, v3, vm0, $0xb8;
	[tilespmem:$0x10080] =	vst v63  }
0x68: {  	s19 =	simm.s32 $0xE880  }
0x69: {  	[tilespmem:s19], [sflag:$0x1] =	stream.indirect_vreg.gather [hbm4b:s4+s2], $0x80, v3, vm0, $0xb8;
	[tilespmem:$0x10080] =	vst v63  }
0x6a: {  	s19 =	simm.s32 $0xF080  }
0x6b: {  	[tilespmem:s19], [sflag:$0x1] =	stream.indirect_vreg.gather [hbm4b:s5+s2], $0x80, v3, vm0, $0xb8;
	[tilespmem:$0x10080] =	vst v63  }
0x6c: {  	s19 =	simm.s32 $0xF880  }
0x6d: {  	[tilespmem:s19], [sflag:$0x1] =	stream.indirect_vreg.gather [hbm4b:s6+s2], $0x80, v3, vm0, $0xb8;
	[tilespmem:$0x10080] =	vst v63  }
0x6e: {  	_ =	swait.ge [sflag:s18], $0x10000  }
0x6f: {  	[sflag:s18] =	ssyncset.done $0x0  }
0x70: {  	s19 =	rddreg [dreg:$0x4];
	[sflag:s18] =	ssyncadd.s32 $0xFFFF0000  }
0x71: {  	[hbm4b:s19+s2] =	stream.linear.scatter [tilespmem:s0], [sflag:$0x2], $0x10000, $0x38;
	[tilespmem:$0x10080] =	vst v63  }
0x72: {  	_ =	swait.ge [sflag:s8], $0x10000  }
0x73: {  	[sflag:s8] =	ssyncset.done $0x0  }
0x74: {  	s19 =	rddreg [dreg:$0x5];
	[sflag:s8] =	ssyncadd.s32 $0xFFFF0000  }
0x75: {  	[tilespmem:s2], [sflag:$0x2] =	stream.linear.gather [hbm4b:s19+s2], $0x40, $0x38;
	[tilespmem:$0x10080] =	vst v63  }
0x76: {  	_ =	swait.ge [sflag:s8], $0x40  }
0x77: {  	[sflag:s8] =	ssyncset.done $0x0  }
0x78: {  	[sflag:s8] =	ssyncadd.s32 $0xFFFFFFC0  }
0x79: {  	v3 =	vld [tilespmem:$0x0];
	_ =	sdelay $0x4  }
0x7a: {  	v60 =	vshll.u32 v3, $0x3  }
0x7b: {  	v3 =	vand.u32 $0x7, v3;
	v4 =	vand.u32 $0xFFFFFFC0, v60  }
0x7c: {  	v3 =	vor.u32 v3, v4  }
0x7d: {  	v4 =	vperm.xlane v3, v0;
	_ =	sdelay $0x1  }
0x7e: {  	v4 =	vadd.s32 v1, v4;
	_ =	sdelay $0x4  }
0x7f: {  	[tilespmem:s0], [sflag:$0x1] =	stream.indirect_vreg.gather [hbm4b:s3+s2], $0x80, v4, vm0, $0xb8;
	[tilespmem:$0x10080] =	vst v63  }
0x80: {  	v3 =	vperm.xlane v3, v2  }
0x81: {  	[tilespmem:s20], [sflag:$0x1] =	stream.indirect_vreg.gather [hbm4b:s4+s2], $0x80, v4, vm0, $0xb8;
	[tilespmem:$0x10080] =	vst v63  }
0x82: {  	v3 =	vadd.s32 v1, v3  }
0x83: {  	[tilespmem:s21], [sflag:$0x1] =	stream.indirect_vreg.gather [hbm4b:s5+s2], $0x80, v4, vm0, $0xb8;
	[tilespmem:$0x10080] =	vst v63  }
0x84: {  	_ = 	snop  }
0x85: {  	[tilespmem:s22], [sflag:$0x1] =	stream.indirect_vreg.gather [hbm4b:s6+s2], $0x80, v4, vm0, $0xb8;
	[tilespmem:$0x10080] =	vst v63  }
0x86: {  	_ = 	snop  }
0x87: {  	[tilespmem:s23], [sflag:$0x1] =	stream.indirect_vreg.gather [hbm4b:s3+s2], $0x80, v3, vm0, $0xb8;
	[tilespmem:$0x10080] =	vst v63  }
0x88: {  	_ = 	snop  }
0x89: {  	[tilespmem:s24], [sflag:$0x1] =	stream.indirect_vreg.gather [hbm4b:s4+s2], $0x80, v3, vm0, $0xb8;
	[tilespmem:$0x10080] =	vst v63  }
0x8a: {  	_ = 	snop  }
0x8b: {  	[tilespmem:s25], [sflag:$0x1] =	stream.indirect_vreg.gather [hbm4b:s5+s2], $0x80, v3, vm0, $0xb8;
	[tilespmem:$0x10080] =	vst v63  }
0x8c: {  	_ = 	snop  }
0x8d: {  	[tilespmem:s26], [sflag:$0x1] =	stream.indirect_vreg.gather [hbm4b:s6+s2], $0x80, v3, vm0, $0xb8;
	[tilespmem:$0x10080] =	vst v63  }
0x8e: {  	v3 =	vld [tilespmem:$0x10];
	_ =	sdelay $0x4  }
0x8f: {  	v61 =	vshll.u32 v3, $0x3  }
0x90: {  	v3 =	vand.u32 $0x7, v3;
	v4 =	vand.u32 $0xFFFFFFC0, v61  }
0x91: {  	v3 =	vor.u32 v3, v4  }
0x92: {  	v4 =	vperm.xlane v3, v0;
	_ =	sdelay $0x1  }
0x93: {  	v4 =	vadd.s32 v1, v4;
	_ =	sdelay $0x4  }
0x94: {  	[tilespmem:s28], [sflag:$0x1] =	stream.indirect_vreg.gather [hbm4b:s3+s2], $0x80, v4, vm0, $0xb8;
	[tilespmem:$0x10080] =	vst v63  }
0x95: {  	v3 =	vperm.xlane v3, v2  }
0x96: {  	[tilespmem:s29], [sflag:$0x1] =	stream.indirect_vreg.gather [hbm4b:s4+s2], $0x80, v4, vm0, $0xb8;
	[tilespmem:$0x10080] =	vst v63  }
0x97: {  	v3 =	vadd.s32 v1, v3  }
0x98: {  	[tilespmem:s30], [sflag:$0x1] =	stream.indirect_vreg.gather [hbm4b:s5+s2], $0x80, v4, vm0, $0xb8;
	[tilespmem:$0x10080] =	vst v63  }
0x99: {  	_ = 	snop  }
0x9a: {  	[tilespmem:s31], [sflag:$0x1] =	stream.indirect_vreg.gather [hbm4b:s6+s2], $0x80, v4, vm0, $0xb8;
	[tilespmem:$0x10080] =	vst v63  }
0x9b: {  	s19 =	simm.s32 $0x6080  }
0x9c: {  	[tilespmem:s19], [sflag:$0x1] =	stream.indirect_vreg.gather [hbm4b:s3+s2], $0x80, v3, vm0, $0xb8;
	[tilespmem:$0x10080] =	vst v63  }
0x9d: {  	_ = 	snop  }
0x9e: {  	[tilespmem:s1], [sflag:$0x1] =	stream.indirect_vreg.gather [hbm4b:s4+s2], $0x80, v3, vm0, $0xb8;
	[tilespmem:$0x10080] =	vst v63  }
0x9f: {  	_ = 	snop  }
0xa0: {  	[tilespmem:s10], [sflag:$0x1] =	stream.indirect_vreg.gather [hbm4b:s5+s2], $0x80, v3, vm0, $0xb8;
	[tilespmem:$0x10080] =	vst v63  }
0xa1: {  	_ = 	snop  }
0xa2: {  	[tilespmem:s11], [sflag:$0x1] =	stream.indirect_vreg.gather [hbm4b:s6+s2], $0x80, v3, vm0, $0xb8;
	[tilespmem:$0x10080] =	vst v63  }
0xa3: {  	v3 =	vld [tilespmem:$0x20];
	_ =	sdelay $0x4  }
0xa4: {  	v62 =	vshll.u32 v3, $0x3  }
0xa5: {  	v3 =	vand.u32 $0x7, v3;
	v4 =	vand.u32 $0xFFFFFFC0, v62  }
0xa6: {  	v3 =	vor.u32 v3, v4  }
0xa7: {  	v4 =	vperm.xlane v3, v0;
	_ =	sdelay $0x1  }
0xa8: {  	v4 =	vadd.s32 v1, v4;
	_ =	sdelay $0x4  }
0xa9: {  	[tilespmem:s12], [sflag:$0x1] =	stream.indirect_vreg.gather [hbm4b:s3+s2], $0x80, v4, vm0, $0xb8;
	[tilespmem:$0x10080] =	vst v63  }
0xaa: {  	v3 =	vperm.xlane v3, v2  }
0xab: {  	[tilespmem:s13], [sflag:$0x1] =	stream.indirect_vreg.gather [hbm4b:s4+s2], $0x80, v4, vm0, $0xb8;
	[tilespmem:$0x10080] =	vst v63  }
0xac: {  	v3 =	vadd.s32 v1, v3  }
0xad: {  	[tilespmem:s14], [sflag:$0x1] =	stream.indirect_vreg.gather [hbm4b:s5+s2], $0x80, v4, vm0, $0xb8;
	[tilespmem:$0x10080] =	vst v63  }
0xae: {  	_ = 	snop  }
0xaf: {  	[tilespmem:s15], [sflag:$0x1] =	stream.indirect_vreg.gather [hbm4b:s6+s2], $0x80, v4, vm0, $0xb8;
	[tilespmem:$0x10080] =	vst v63  }
0xb0: {  	_ = 	snop  }
0xb1: {  	[tilespmem:s16], [sflag:$0x1] =	stream.indirect_vreg.gather [hbm4b:s3+s2], $0x80, v3, vm0, $0xb8;
	[tilespmem:$0x10080] =	vst v63  }
0xb2: {  	_ = 	snop  }
0xb3: {  	[tilespmem:s17], [sflag:$0x1] =	stream.indirect_vreg.gather [hbm4b:s4+s2], $0x80, v3, vm0, $0xb8;
	[tilespmem:$0x10080] =	vst v63  }
0xb4: {  	_ = 	snop  }
0xb5: {  	[tilespmem:s9], [sflag:$0x1] =	stream.indirect_vreg.gather [hbm4b:s5+s2], $0x80, v3, vm0, $0xb8;
	[tilespmem:$0x10080] =	vst v63  }
0xb6: {  	s19 =	simm.s32 $0xB880  }
0xb7: {  	[tilespmem:s19], [sflag:$0x1] =	stream.indirect_vreg.gather [hbm4b:s6+s2], $0x80, v3, vm0, $0xb8;
	[tilespmem:$0x10080] =	vst v63  }
0xb8: {  	v3 =	vld [tilespmem:$0x30];
	_ =	sdelay $0x4  }
0xb9: {  	v63 =	vshll.u32 v3, $0x3  }
0xba: {  	v3 =	vand.u32 $0x7, v3;
	v4 =	vand.u32 $0xFFFFFFC0, v63  }
0xbb: {  	v3 =	vor.u32 v3, v4  }
0xbc: {  	v4 =	vperm.xlane v3, v0;
	_ =	sdelay $0x1  }
0xbd: {  	v4 =	vadd.s32 v1, v4;
	_ =	sdelay $0x3  }
0xbe: {  	s19 =	simm.s32 $0xC080  }
0xbf: {  	[tilespmem:s19], [sflag:$0x1] =	stream.indirect_vreg.gather [hbm4b:s3+s2], $0x80, v4, vm0, $0xb8;
	[tilespmem:$0x10080] =	vst v63  }
0xc0: {  	v3 =	vperm.xlane v3, v2;
	s19 =	simm.s32 $0xC880  }
0xc1: {  	[tilespmem:s19], [sflag:$0x1] =	stream.indirect_vreg.gather [hbm4b:s4+s2], $0x80, v4, vm0, $0xb8;
	[tilespmem:$0x10080] =	vst v63  }
0xc2: {  	v3 =	vadd.s32 v1, v3;
	s19 =	simm.s32 $0xD080  }
0xc3: {  	[tilespmem:s19], [sflag:$0x1] =	stream.indirect_vreg.gather [hbm4b:s5+s2], $0x80, v4, vm0, $0xb8;
	[tilespmem:$0x10080] =	vst v63  }
0xc4: {  	s19 =	simm.s32 $0xD880  }
0xc5: {  	[tilespmem:s19], [sflag:$0x1] =	stream.indirect_vreg.gather [hbm4b:s6+s2], $0x80, v4, vm0, $0xb8;
	[tilespmem:$0x10080] =	vst v63  }
0xc6: {  	s19 =	simm.s32 $0xE080  }
0xc7: {  	[tilespmem:s19], [sflag:$0x1] =	stream.indirect_vreg.gather [hbm4b:s3+s2], $0x80, v3, vm0, $0xb8;
	[tilespmem:$0x10080] =	vst v63  }
0xc8: {  	s19 =	simm.s32 $0xE880  }
0xc9: {  	[tilespmem:s19], [sflag:$0x1] =	stream.indirect_vreg.gather [hbm4b:s4+s2], $0x80, v3, vm0, $0xb8;
	[tilespmem:$0x10080] =	vst v63  }
0xca: {  	s19 =	simm.s32 $0xF080  }
0xcb: {  	[tilespmem:s19], [sflag:$0x1] =	stream.indirect_vreg.gather [hbm4b:s5+s2], $0x80, v3, vm0, $0xb8;
	[tilespmem:$0x10080] =	vst v63  }
0xcc: {  	s19 =	simm.s32 $0xF880  }
0xcd: {  	[tilespmem:s19], [sflag:$0x1] =	stream.indirect_vreg.gather [hbm4b:s6+s2], $0x80, v3, vm0, $0xb8;
	[tilespmem:$0x10080] =	vst v63  }
0xce: {  	_ =	swait.ge [sflag:s18], $0x10000  }
0xcf: {  	p0 =	sne.s32 s7, $0x1;
	[sflag:s18] =	ssyncset.done $0x0  }
.Ltmp0:
0xd0: {  	s1 =	rddreg [dreg:$0x6];
	[sflag:s18] =	ssyncadd.s32 $0xFFFF0000;
	(pc) =	sbr.rel @p0 .LBB2_1-.Ltmp0, $4  }
0xd1: {  	[hbm4b:s1+s2] =	stream.linear.scatter [tilespmem:s0], [sflag:$0x2], $0x10000, $0x38;
	[tilespmem:$0x10080] =	vst v63  }
0xd2: {  	_ =	swait.ge [sflag:s8], $0x10000  }
0xd3: {  	[sflag:s8] =	ssyncset.done $0x0  }
0xd4: {  	s7 =	sadd.s32 $0xFFFFFFFF, s7;
	[sflag:s8] =	ssyncadd.s32 $0xFFFF0000  }
0xd5: {  	_ =	sfence.sel $0x180000  }
0xd6: {  	[bflag:$0x0] =	sbarrier.arrive $0xFFFF  }
0xd7: {  	_ =	strace $0x9000004A  }
0xd8: {  	s0 =	stileid.u32;
	[bflag:$0x2] =	sbarrier.arrive $0xFFFF  }
0xd9: {  	p0 =	sne.s32 s0, $0x0;
	s0 =	rddreg [dreg:$0x2]  }
0xda: {  	s0 =	sadd.s32 @!p0 $0x100000, s0  }
0xdb: {  	[sflag:s0] =	ssyncadd.tile.s32 @!p0 $0x1;
	_ =	shalt  }
.Lfunc_end2:
_tile_overlayer_lowered:
.L_overlay_start_2:
0xdc: {  	(tag) =	ssettag $0x2  }
0xdd: {  	s0 =	rddreg [dreg:$0x0];
	s2 =	stileid.u32  }
0xde: {  	s1 =	rddreg [dreg:$0x1];
	p0 =	sne.s32 s2, $0x0  }
0xdf: {  	s3 =	rddreg [dreg:$0x2];
	[bflag:$0x3] =	sbarrier.arrive $0xFFFF;
	s2 =	simm.s32 @!p0 $0x1C02  }
0xe0: {  	[timem:s3], [sflag:s2] =	dma.local @!p0 [hbm:s0], s1  }
0xe1: {  	s0 =	simm.s32 @!p0 $0x2  }
0xe2: {  	_ =	swait.ge @!p0 [sflag:s0], s1  }
0xe3: {  	s1 =	ssub.s32 @!p0 $0x0, s1;
	[sflag:s0] =	ssyncset.done @!p0 $0x0  }
0xe4: {  	[sflag:s0] =	ssyncadd.s32 @!p0 s1  }
0xe5: {  	[bflag:$0x3] =	sbarrier.arrive $0xFFFF  }
0xe6: {  	_ =	shalt  }

// kernel: kernel.7.cloned.1.call-start
scs
__scs_entry_jumppad:
0x0: {  	(pc) =	sbr.rel $0x88, $3  }
0x1: {  	(tag) =	ssettag $0x0;
	lr =	simm.s32 $0x1  }
0x2: {  	[smem:$0x3F96] =	sst lr;
	_ =	strace $0xD0000000  }
0x3: {  	_ = 	snop  }
0x4: {  	_ = 	snop  }
0x5: {  	_ = 	snop  }
0x6: {  	_ = 	snop  }
0x7: {  	_ = 	snop  }
__scs_overlays_trampoline_lowered:
0x8: {  	[smem:$0x3FA5] =	sst s0  }
0x9: {  	[smem:$0x3FA6] =	sst s1  }
0xa: {  	[smem:$0x3FA7] =	sst s2  }
0xb: {  	[smem:$0x3FA8] =	sst s3  }
0xc: {  	[smem:$0x3FA9] =	sst s4  }
0xd: {  	[smem:$0x3FAA] =	sst s5  }
0xe: {  	[smem:$0x3FAB] =	sst s6  }
0xf: {  	[smem:$0x3FAC] =	sst s7  }
0x10: {  	[smem:$0x3FAD] =	sst s8  }
0x11: {  	[smem:$0x3FAE] =	sst s9;
	s0 =	simm.s32 @!p0 $0x0  }
0x12: {  	s1 =	sld [smem:$0x3F94];
	s0 =	simm.s32 @p0 $0x1  }
0x13: {  	[smem:$0x3FAF] =	sst s0;
	s0 =	simm.s32 @!p1 $0x0  }
0x14: {  	s2 =	sld [smem:$0x3F93];
	s0 =	simm.s32 @p1 $0x1  }
0x15: {  	[smem:$0x3FB0] =	sst s0;
	s0 =	simm.s32 @!p2 $0x0  }
0x16: {  	s3 =	sld [smem:$0x3FDB];
	s0 =	simm.s32 @p2 $0x1  }
0x17: {  	s4 =	simm.s32 $0x1BF5;
	[smem:$0x3FB2] =	sst s0  }
0x18: {  	s0 =	sld [smem:$0x3F95];
	_ =	swait.ge [sflag:s4], $0x0  }
0x19: {  	s7 =	sld [smem:$0x3F96]  }
0x1a: {  	s8 =	sadd.s32 $0xFFFFE003, lr  }
0x1b: {  	s9 =	sadd.s32 $0xFFFFFEF7, lr;
	s5 =	simm.s32 $0xFFFFFFFF;
	p2 =	slt.u32 s8, $0xFFFFF086  }
0x1c: {  	p1 =	slt.u32 s9, $0xF7A;
	s5 =	simm.s32 @!p2 $0x0  }
0x1d: {  	s5 =	simm.s32 @p1 $0x1;
	p0 =	seq.s32 s7, s2  }
0x1e: {  	s7 =	smul.u32 @!p0 $0xF7A, s2;
	p2 =	seq.s32 @!p0 s5, $0x0  }
0x1f: {  	s9 =	smul.u32 $0xF7A, s1;
	s8 =	simm.s32 @!p0 $0x1BF5;
	p2 =	por !p2, p0  }
0x20: {  	[sflag:s8] =	ssyncset.s32 @!p0 $0xFFFFF086;
	s6 =	sadd.s32 @!p0 s3, s7;
	s7 =	simm.s32 @!p0 $0x108  }
0x21: {  	s3 =	sadd.s32 s3, s9;
	s6 =	sadd.s32 @!p0 $0x88, s6;
	s7 =	simm.s32 @p2 $0x1082  }
0x22: {  	[simem:s7], [sflag:s8] =	dma.local @!p0 [hbm:s6], $0xF7A  }
0x23: {  	s9 =	sor.u32 $0xD0000000, s2;
	s6 =	simm.s32 $0x108;
	_ =	swait.ge @!p0 [sflag:s8], $0x0  }
0x24: {  	s3 =	sadd.s32 $0x88, s3;
	s6 =	simm.s32 @!p1 $0x1082;
	[sflag:s4] =	ssyncset.s32 $0xFFFFF086  }
0x25: {  	[simem:s6], [sflag:s4] =	dma.local [hbm:s3], $0xF7A  }
0x26: {  	[smem:$0x3F96] =	sst s1;
	(tag) =	ssettag s2;
	_ =	strace s9  }
0x27: {  	s1 =	sld [smem:$0x3FA6]  }
0x28: {  	s2 =	sld [smem:$0x3FA7]  }
0x29: {  	s4 =	sld [smem:$0x3FA9]  }
0x2a: {  	p0 =	seq.s32 s5, $0x0;
	s5 =	sld [smem:$0x3FAA]  }
0x2b: {  	s6 =	sld [smem:$0x3FAB]  }
0x2c: {  	s7 =	sld [smem:$0x3FAC]  }
0x2d: {  	s3 =	simm.s32 $0x108;
	s8 =	sld [smem:$0x3FAD]  }
0x2e: {  	s3 =	simm.s32 @!p0 $0x1082;
	s9 =	sld [smem:$0x3FAE]  }
0x2f: {  	lr =	sadd.s32 s0, s3;
	s0 =	sld [smem:$0x3FA5]  }
0x30: {  	s3 =	sld [smem:$0x3FA8]  }
0x31: {  	[smem:$0x3FB1] =	sst s10  }
0x32: {  	s10 =	sld [smem:$0x3FAF];
	_ =	sdelay $0x3  }
0x33: {  	p0 =	seq.s32 s10, $0x1;
	s10 =	sld [smem:$0x3FB1];
	_ =	sdelay $0x3  }
0x34: {  	[smem:$0x3FB1] =	sst s10  }
0x35: {  	s10 =	sld [smem:$0x3FB0];
	_ =	sdelay $0x3  }
0x36: {  	p1 =	seq.s32 s10, $0x1;
	s10 =	sld [smem:$0x3FB1];
	_ =	sdelay $0x3  }
0x37: {  	[smem:$0x3FB1] =	sst s10  }
0x38: {  	s10 =	sld [smem:$0x3FB2]  }
0x39: {  	_ = 	snop;
	(pc) =	sbr.ind lr, $3  }
0x3a: {  	_ = 	snop  }
0x3b: {  	_ = 	snop  }
0x3c: {  	p2 =	seq.s32 s10, $0x1;
	s10 =	sld [smem:$0x3FB1]  }
0x3d: {  	_ =	shalt  }
0x3e: {  	_ =	shalt  }
0x3f: {  	_ =	shalt  }
0x40: {  	_ =	shalt  }
0x41: {  	_ =	shalt  }
0x42: {  	_ =	shalt  }
0x43: {  	_ =	shalt  }
0x44: {  	_ =	shalt  }
0x45: {  	_ =	shalt  }
0x46: {  	_ =	shalt  }
0x47: {  	_ =	shalt  }
0x48: {  	_ =	shalt  }
0x49: {  	_ =	shalt  }
0x4a: {  	_ =	shalt  }
0x4b: {  	_ =	shalt  }
0x4c: {  	_ =	shalt  }
0x4d: {  	_ =	shalt  }
0x4e: {  	_ =	shalt  }
0x4f: {  	_ =	shalt  }
0x50: {  	_ =	shalt  }
0x51: {  	_ =	shalt  }
0x52: {  	_ =	shalt  }
0x53: {  	_ =	shalt  }
0x54: {  	_ =	shalt  }
0x55: {  	_ =	shalt  }
0x56: {  	_ =	shalt  }
0x57: {  	_ =	shalt  }
0x58: {  	_ =	shalt  }
0x59: {  	_ =	shalt  }
0x5a: {  	_ =	shalt  }
0x5b: {  	_ =	shalt  }
0x5c: {  	_ =	shalt  }
0x5d: {  	_ =	shalt  }
0x5e: {  	_ =	shalt  }
0x5f: {  	_ =	shalt  }
0x60: {  	_ =	shalt  }
0x61: {  	_ =	shalt  }
0x62: {  	_ =	shalt  }
0x63: {  	_ =	shalt  }
0x64: {  	_ =	shalt  }
0x65: {  	_ =	shalt  }
0x66: {  	_ =	shalt  }
0x67: {  	_ =	shalt  }
0x68: {  	_ =	shalt  }
0x69: {  	_ =	shalt  }
0x6a: {  	_ =	shalt  }
0x6b: {  	_ =	shalt  }
0x6c: {  	_ =	shalt  }
0x6d: {  	_ =	shalt  }
0x6e: {  	_ =	shalt  }
0x6f: {  	_ =	shalt  }
0x70: {  	_ =	shalt  }
0x71: {  	_ =	shalt  }
0x72: {  	_ =	shalt  }
0x73: {  	_ =	shalt  }
0x74: {  	_ =	shalt  }
0x75: {  	_ =	shalt  }
0x76: {  	_ =	shalt  }
0x77: {  	_ =	shalt  }
0x78: {  	_ =	shalt  }
0x79: {  	_ =	shalt  }
0x7a: {  	_ =	shalt  }
0x7b: {  	_ =	shalt  }
0x7c: {  	_ =	shalt  }
0x7d: {  	_ =	shalt  }
0x7e: {  	_ =	shalt  }
0x7f: {  	_ =	shalt  }
0x80: {  	_ =	shalt  }
0x81: {  	_ =	shalt  }
0x82: {  	_ =	shalt  }
0x83: {  	_ =	shalt  }
0x84: {  	_ =	shalt  }
0x85: {  	_ =	shalt  }
0x86: {  	_ =	shalt  }
0x87: {  	_ =	shalt  }
.Lfunc_end0:
.L_simem_size_0:
called_computation_lowered:
.L_overlay_start_0:
0x88: {  	s2 =	sld [smem:$0x3FD9]  }
0x89: {  	s3 =	sld [smem:$0x3FFE];
	_ =	sdelay $0x1  }
0x8a: {  	s1 =	srdreg.scid  }
0x8b: {  	s0 =	sand.u32 $0x1, s1  }
0x8c: {  	s17 =	sshll.u32 s0, $0xA;
	s2 =	sadd.s32 s3, s2  }
0x8d: {  	s2 =	sadd.s32 s2, s17  }
0x8e: {  	[smem:$0x3FBD] =	sst s2  }
0x8f: {  	_ = 	snop  }
0x90: {  	s2 =	sld [smem:$0x3FC9];
	(tm) =	ssettm $0x1  }
0x91: {  	s18 =	sld [smem:$0x3FFB];
	_ =	sdelay $0x3  }
0x92: {  	_ =	strace s18  }
0x93: {  	s3 =	sld [smem:$0x3FFC];
	_ =	sdelay $0x3  }
0x94: {  	_ =	strace s3  }
0x95: {  	s3 =	sld [smem:$0x3FFD];
	_ =	sdelay $0x3  }
0x96: {  	_ =	strace s3  }
0x97: {  	_ =	strace $0x8FFFFFFF  }
0x98: {  	s19 =	sld [smem:$0x3FDB];
	_ =	sdelay $0x1  }
0x99: {  	s4 =	simm.s32 $_scs_section_size  }
0x9a: {  	s5 =	simm.s32 $_size__tile_overlayer_lowered;
	s6 =	simm.s32 $_tile_overlayer_lowered  }
0x9b: {  	s22 =	simm.s32 $0x1BFF;
	s21 =	sshll.u32 s6, $0x1;
	s3 =	sadd.s32 s4, s19  }
0x9c: {  	s7 =	simm.s32 $0x0;
	s20 =	sshll.u32 s5, $0x1;
	s5 =	sadd.s32 s21, s3  }
0x9d: {  	[timem:s7], [sflag:s22] =	dma.local [hbm:s5], s20  }
0x9e: {  	_ =	swait.ge [sflag:s22], s20  }
0x9f: {  	s4 =	ssub.s32 $0x0, s20;
	[sflag:s22] =	ssyncset.done $0x0  }
0xa0: {  	[sflag:s22] =	ssyncadd.s32 s4;
	_ =	sdelay $0x1  }
0xa1: {  	s23 =	simm.s32 $0x1B8B  }
0xa2: {  	_ =	swait.ge [sflag:s23], $0x1  }
0xa3: {  	[sflag:s23] =	ssyncset.done $0x0  }
0xa4: {  	s25 =	simm.s32 $0x1B8E;
	s24 =	sld [smem:$0x3FFE];
	[sflag:s23] =	ssyncadd.s32 $0xFFFFFFFF  }
0xa5: {  	s26 =	simm.s32 $execute0_lowered;
	[smem:$0x3FD2] =	sst s25  }
0xa6: {  	s5 =	sshll.u32 s26, $0x1;
	_ =	strace $0x80000046;
	[dreg:$0x1] =	wrdreg $0xFFFFFFFF  }
0xa7: {  	s28 =	simm.s32 $_size_execute0_lowered;
	s3 =	sadd.s32 s3, s5;
	[dreg:$0x0] =	wrdreg $0x0  }
0xa8: {  	s5 =	sshll.u32 s28, $0x1;
	[dreg:$0x2] =	wrdreg s3  }
0xa9: {  	[dreg:$0x3] =	wrdreg s5  }
0xaa: {  	[dreg:$0x4] =	wrdreg $0xC0  }
0xab: {  	_ =	task [dreg:s7], $0x5FFFF  }
0xac: {  	[dreg:$0x1] =	wrdreg $0xFFFFFFFF  }
0xad: {  	[dreg:$0x0] =	wrdreg $0x60  }
0xae: {  	[dreg:$0x2] =	wrdreg s2  }
0xaf: {  	[dreg:$0x3] =	wrdreg s24  }
0xb0: {  	[dreg:$0x4] =	wrdreg $0x9  }
0xb1: {  	_ =	task.clear_ibuf [dreg:s7], $0x5FFFF;
	_ =	strace $0x90000046  }
0xb2: {  	s29 =	simm.s32 $0x9;
	_ =	strace $0x80000048  }
0xb3: {  	_ =	swait.ge [sflag:s29], $0x1  }
0xb4: {  	[sflag:s29] =	ssyncadd.s32 $0xFFFFFFFF  }
0xb5: {  	_ =	strace $0x90000048  }
0xb6: {  	_ =	sfence  }
0xb7: {  	s30 =	sld [smem:$0x0];
	_ =	sdelay $0x2  }
0xb8: {  	s31 =	sshll.u32 s1, $0xD;
	s1 =	sshrl.u32 s1, $0x2  }
0xb9: {  	s3 =	sand.u32 $0x4000, s31;
	s1 =	sadd.s32 s1, s30  }
0xba: {  	s0 =	sor.u32 s3, s0;
	s1 =	sshll.u32 s1, $0x11  }
0xbb: {  	s0 =	sor.u32 s1, s0  }
0xbc: {  	s0 =	sadd.s32 $0x8F2B, s0  }
0xbd: {  	[sflag:s0] =	ssyncadd.remote.s32 $0x1  }
0xbe: {  	_ =	sfence.sel $0xFFFF  }
0xbf: {  	[dreg:$0x0] =	wrdreg $0xFFFFFFFF;
	(pc) =	sbr.abs _section_cstart, $3  }
0xc0: {  	[dreg:$0x1] =	wrdreg $0xFFFFFFFF  }
0xc1: {  	_ =	task.clear_ibuf [dreg:s7], $0x2FFFF;
	_ =	strace $0x9FFFFFFF  }
0xc2: {  	(tm) =	ssettm $0x7FFFFFFF  }
0xc3: {  	_ =	shalt  }
tec
execute0_lowered:
.L_overlay_start_1:
0x0: {  	(tag) =	ssettag $0x1  }
0x1: {  	s0 =	srdreg.scid;
	s1 =	rddreg [dreg:$0x0]  }
0x2: {  	s2 =	stileid.u32;
	s6 =	rddreg [dreg:$0x1];
	s26 =	simm.s32 $0x80  }
0x3: {  	s8 =	simm.s32 $0x2;
	s18 =	simm.s32 $0x1;
	s21 =	simm.s32 $0x1900  }
0x4: {  	s22 =	simm.s32 $0x2100;
	s23 =	simm.s32 $0x2900;
	s24 =	simm.s32 $0x3100  }
0x5: {  	s28 =	simm.s32 $0x4900;
	s29 =	simm.s32 $0x5100;
	s30 =	simm.s32 $0x5900  }
0x6: {  	s31 =	simm.s32 $0x6100;
	s10 =	simm.s32 $0x7900;
	s11 =	simm.s32 $0x8100  }
0x7: {  	s12 =	simm.s32 $0x8900;
	s13 =	simm.s32 $0x9100;
	s14 =	simm.s32 $0x9900  }
0x8: {  	s15 =	simm.s32 $0xA100;
	s16 =	simm.s32 $0xA900;
	s17 =	simm.s32 $0xB100  }
0x9: {  	s0 =	sand.u32 $0x1, s0;
	s3 =	sshll.u32 s2, $0x7;
	s2 =	simm.s32 $0x0  }
0xa: {  	s4 =	sshll.u32 s0, $0x6;
	[smem:$0x7FF] =	sst s2;
	s0 =	ssub.s32 $0x2, s0  }
0xb: {  	s4 =	sor.u32 s4, s3;
	_ =	strace $0x80000047;
	s25 =	sshrl.u32 s0, $0x1  }
0xc: {  	[dreg:$0x6] =	wrdreg s26;
	s3 =	sshrl.u32 s4, $0x3;
	s4 =	sshll.u32 s4, $0x7  }
0xd: {  	s26 =	simm.s32 $0x4100;
	s5 =	sadd.s32 s3, s6;
	s1 =	sadd.s32 s1, s4  }
0xe: {  	s0 =	ssub.s32 s0, s25;
	s7 =	sadd.s32 $0x1000, s5;
	[dreg:$0x5] =	wrdreg s1  }
0xf: {  	v2 =	vlaneseq.u32;
	s25 =	simm.s32 $0x3900;
	s5 =	sadd.s32 $0x1200, s5;
	[dreg:$0x3] =	wrdreg s7  }
0x10: {  	vm0 =	vmmov $0xffff;
	v1 =	vshrl.u32 v2, $0x3;
	s3 =	sadd.s32 $0x1400, s6;
	s4 =	sadd.s32 $0x1500, s6;
	[dreg:$0x4] =	wrdreg s5  }
0x11: {  	v0 =	vand.u32 $0x7, v2;
	v2 =	vor.u32 $0x8, v2;
	v1 =	vmul.u32 $0x8, v1;
	s5 =	sadd.s32 $0x1600, s6;
	s6 =	sadd.s32 $0x1700, s6;
	s7 =	smax.u32 s0, $0x1  }
.LBB2_1:
0x12: {  	s19 =	rddreg [dreg:$0x3]  }
0x13: {  	[tilespmem:s2], [sflag:$0x2] =	stream.linear.gather [hbm4b:s19+s2], $0x40, $0x38;
	[tilespmem:$0x10100] =	vst v63  }
0x14: {  	_ =	swait.ge [sflag:s8], $0x40  }
0x15: {  	s1 =	rddreg [dreg:$0x4];
	[sflag:s8] =	ssyncset.done $0x0  }
0x16: {  	s20 =	rddreg [dreg:$0x6];
	[sflag:s8] =	ssyncadd.s32 $0xFFFFFFC0  }
0x17: {  	[tilespmem:s20], [sflag:$0x2] =	stream.linear.gather [hbm4b:s1+s2], $0x40, $0x38;
	[tilespmem:$0x10100] =	vst v63  }
0x18: {  	_ =	swait.ge [sflag:s8], $0x40  }
0x19: {  	[sflag:s8] =	ssyncset.done $0x0  }
0x1a: {  	s0 =	simm.s32 $0x100;
	s9 =	rddreg [dreg:$0x5];
	[sflag:s8] =	ssyncadd.s32 $0xFFFFFFC0  }
0x1b: {  	[tilespmem:s0], [sflag:$0x2] =	stream.linear.gather [hbm4b:s9+s2], $0x10000, $0x38;
	[tilespmem:$0x10100] =	vst v63  }
0x1c: {  	_ =	swait.ge [sflag:s8], $0x10000  }
0x1d: {  	[sflag:s8] =	ssyncset.done $0x0  }
0x1e: {  	[sflag:s8] =	ssyncadd.s32 $0xFFFF0000  }
0x1f: {  	v3 =	vld [tilespmem:$0x0];
	_ =	sdelay $0x4  }
0x20: {  	v4 =	vshll.u32 v3, $0x3  }
0x21: {  	v3 =	vand.u32 $0x7, v3;
	v4 =	vand.u32 $0xFFFFFFC0, v4  }
0x22: {  	v3 =	vor.u32 v3, v4  }
0x23: {  	v4 =	vperm.xlane v3, v0;
	_ =	sdelay $0x1  }
0x24: {  	v4 =	vadd.s32 v1, v4;
	_ =	sdelay $0x4  }
0x25: {  	[hbm4b:s3+s2] =	stream.indirect_vreg.scatter [tilespmem:s0], [sflag:$0x1], $0x80, v4, vm0, $0xb8;
	[tilespmem:$0x10100] =	vst v63  }
0x26: {  	s19 =	simm.s32 $0x900;
	v3 =	vperm.xlane v3, v2  }
0x27: {  	[hbm4b:s4+s2] =	stream.indirect_vreg.scatter [tilespmem:s19], [sflag:$0x1], $0x80, v4, vm0, $0xb8;
	[tilespmem:$0x10100] =	vst v63  }
0x28: {  	s20 =	simm.s32 $0x1100;
	v3 =	vadd.s32 v1, v3  }
0x29: {  	[hbm4b:s5+s2] =	stream.indirect_vreg.scatter [tilespmem:s20], [sflag:$0x1], $0x80, v4, vm0, $0xb8;
	[tilespmem:$0x10100] =	vst v63  }
0x2a: {  	_ = 	snop  }
0x2b: {  	[hbm4b:s6+s2] =	stream.indirect_vreg.scatter [tilespmem:s21], [sflag:$0x1], $0x80, v4, vm0, $0xb8;
	[tilespmem:$0x10100] =	vst v63  }
0x2c: {  	_ = 	snop  }
0x2d: {  	[hbm4b:s3+s2] =	stream.indirect_vreg.scatter [tilespmem:s22], [sflag:$0x1], $0x80, v3, vm0, $0xb8;
	[tilespmem:$0x10100] =	vst v63  }
0x2e: {  	_ = 	snop  }
0x2f: {  	[hbm4b:s4+s2] =	stream.indirect_vreg.scatter [tilespmem:s23], [sflag:$0x1], $0x80, v3, vm0, $0xb8;
	[tilespmem:$0x10100] =	vst v63  }
0x30: {  	_ = 	snop  }
0x31: {  	[hbm4b:s5+s2] =	stream.indirect_vreg.scatter [tilespmem:s24], [sflag:$0x1], $0x80, v3, vm0, $0xb8;
	[tilespmem:$0x10100] =	vst v63  }
0x32: {  	_ = 	snop  }
0x33: {  	[hbm4b:s6+s2] =	stream.indirect_vreg.scatter [tilespmem:s25], [sflag:$0x1], $0x80, v3, vm0, $0xb8;
	[tilespmem:$0x10100] =	vst v63  }
0x34: {  	v3 =	vld [tilespmem:$0x10];
	_ =	sdelay $0x4  }
0x35: {  	v57 =	vshll.u32 v3, $0x3  }
0x36: {  	v3 =	vand.u32 $0x7, v3;
	v4 =	vand.u32 $0xFFFFFFC0, v57  }
0x37: {  	v3 =	vor.u32 v3, v4  }
0x38: {  	v4 =	vperm.xlane v3, v0;
	_ =	sdelay $0x1  }
0x39: {  	v4 =	vadd.s32 v1, v4;
	_ =	sdelay $0x4  }
0x3a: {  	[hbm4b:s3+s2] =	stream.indirect_vreg.scatter [tilespmem:s26], [sflag:$0x1], $0x80, v4, vm0, $0xb8;
	[tilespmem:$0x10100] =	vst v63  }
0x3b: {  	v3 =	vperm.xlane v3, v2  }
0x3c: {  	[hbm4b:s4+s2] =	stream.indirect_vreg.scatter [tilespmem:s28], [sflag:$0x1], $0x80, v4, vm0, $0xb8;
	[tilespmem:$0x10100] =	vst v63  }
0x3d: {  	v3 =	vadd.s32 v1, v3  }
0x3e: {  	[hbm4b:s5+s2] =	stream.indirect_vreg.scatter [tilespmem:s29], [sflag:$0x1], $0x80, v4, vm0, $0xb8;
	[tilespmem:$0x10100] =	vst v63  }
0x3f: {  	_ = 	snop  }
0x40: {  	[hbm4b:s6+s2] =	stream.indirect_vreg.scatter [tilespmem:s30], [sflag:$0x1], $0x80, v4, vm0, $0xb8;
	[tilespmem:$0x10100] =	vst v63  }
0x41: {  	_ = 	snop  }
0x42: {  	[hbm4b:s3+s2] =	stream.indirect_vreg.scatter [tilespmem:s31], [sflag:$0x1], $0x80, v3, vm0, $0xb8;
	[tilespmem:$0x10100] =	vst v63  }
0x43: {  	s1 =	simm.s32 $0x6900  }
0x44: {  	[hbm4b:s4+s2] =	stream.indirect_vreg.scatter [tilespmem:s1], [sflag:$0x1], $0x80, v3, vm0, $0xb8;
	[tilespmem:$0x10100] =	vst v63  }
0x45: {  	s9 =	simm.s32 $0x7100  }
0x46: {  	[hbm4b:s5+s2] =	stream.indirect_vreg.scatter [tilespmem:s9], [sflag:$0x1], $0x80, v3, vm0, $0xb8;
	[tilespmem:$0x10100] =	vst v63  }
0x47: {  	_ = 	snop  }
0x48: {  	[hbm4b:s6+s2] =	stream.indirect_vreg.scatter [tilespmem:s10], [sflag:$0x1], $0x80, v3, vm0, $0xb8;
	[tilespmem:$0x10100] =	vst v63  }
0x49: {  	v3 =	vld [tilespmem:$0x20];
	_ =	sdelay $0x4  }
0x4a: {  	v58 =	vshll.u32 v3, $0x3  }
0x4b: {  	v3 =	vand.u32 $0x7, v3;
	v4 =	vand.u32 $0xFFFFFFC0, v58  }
0x4c: {  	v3 =	vor.u32 v3, v4  }
0x4d: {  	v4 =	vperm.xlane v3, v0;
	_ =	sdelay $0x1  }
0x4e: {  	v4 =	vadd.s32 v1, v4;
	_ =	sdelay $0x4  }
0x4f: {  	[hbm4b:s3+s2] =	stream.indirect_vreg.scatter [tilespmem:s11], [sflag:$0x1], $0x80, v4, vm0, $0xb8;
	[tilespmem:$0x10100] =	vst v63  }
0x50: {  	v3 =	vperm.xlane v3, v2  }
0x51: {  	[hbm4b:s4+s2] =	stream.indirect_vreg.scatter [tilespmem:s12], [sflag:$0x1], $0x80, v4, vm0, $0xb8;
	[tilespmem:$0x10100] =	vst v63  }
0x52: {  	v3 =	vadd.s32 v1, v3  }
0x53: {  	[hbm4b:s5+s2] =	stream.indirect_vreg.scatter [tilespmem:s13], [sflag:$0x1], $0x80, v4, vm0, $0xb8;
	[tilespmem:$0x10100] =	vst v63  }
0x54: {  	_ = 	snop  }
0x55: {  	[hbm4b:s6+s2] =	stream.indirect_vreg.scatter [tilespmem:s14], [sflag:$0x1], $0x80, v4, vm0, $0xb8;
	[tilespmem:$0x10100] =	vst v63  }
0x56: {  	_ = 	snop  }
0x57: {  	[hbm4b:s3+s2] =	stream.indirect_vreg.scatter [tilespmem:s15], [sflag:$0x1], $0x80, v3, vm0, $0xb8;
	[tilespmem:$0x10100] =	vst v63  }
0x58: {  	_ = 	snop  }
0x59: {  	[hbm4b:s4+s2] =	stream.indirect_vreg.scatter [tilespmem:s16], [sflag:$0x1], $0x80, v3, vm0, $0xb8;
	[tilespmem:$0x10100] =	vst v63  }
0x5a: {  	_ = 	snop  }
0x5b: {  	[hbm4b:s5+s2] =	stream.indirect_vreg.scatter [tilespmem:s17], [sflag:$0x1], $0x80, v3, vm0, $0xb8;
	[tilespmem:$0x10100] =	vst v63  }
0x5c: {  	s9 =	simm.s32 $0xB900  }
0x5d: {  	[hbm4b:s6+s2] =	stream.indirect_vreg.scatter [tilespmem:s9], [sflag:$0x1], $0x80, v3, vm0, $0xb8;
	[tilespmem:$0x10100] =	vst v63  }
0x5e: {  	v3 =	vld [tilespmem:$0x30];
	_ =	sdelay $0x4  }
0x5f: {  	v59 =	vshll.u32 v3, $0x3  }
0x60: {  	v3 =	vand.u32 $0x7, v3;
	v4 =	vand.u32 $0xFFFFFFC0, v59  }
0x61: {  	v3 =	vor.u32 v3, v4  }
0x62: {  	v4 =	vperm.xlane v3, v0;
	_ =	sdelay $0x1  }
0x63: {  	v4 =	vadd.s32 v1, v4;
	_ =	sdelay $0x3  }
0x64: {  	s1 =	simm.s32 $0xC100  }
0x65: {  	[hbm4b:s3+s2] =	stream.indirect_vreg.scatter [tilespmem:s1], [sflag:$0x1], $0x80, v4, vm0, $0xb8;
	[tilespmem:$0x10100] =	vst v63  }
0x66: {  	v3 =	vperm.xlane v3, v2;
	s1 =	simm.s32 $0xC900  }
0x67: {  	[hbm4b:s4+s2] =	stream.indirect_vreg.scatter [tilespmem:s1], [sflag:$0x1], $0x80, v4, vm0, $0xb8;
	[tilespmem:$0x10100] =	vst v63  }
0x68: {  	v3 =	vadd.s32 v1, v3;
	s1 =	simm.s32 $0xD100  }
0x69: {  	[hbm4b:s5+s2] =	stream.indirect_vreg.scatter [tilespmem:s1], [sflag:$0x1], $0x80, v4, vm0, $0xb8;
	[tilespmem:$0x10100] =	vst v63  }
0x6a: {  	s1 =	simm.s32 $0xD900  }
0x6b: {  	[hbm4b:s6+s2] =	stream.indirect_vreg.scatter [tilespmem:s1], [sflag:$0x1], $0x80, v4, vm0, $0xb8;
	[tilespmem:$0x10100] =	vst v63  }
0x6c: {  	s1 =	simm.s32 $0xE100  }
0x6d: {  	[hbm4b:s3+s2] =	stream.indirect_vreg.scatter [tilespmem:s1], [sflag:$0x1], $0x80, v3, vm0, $0xb8;
	[tilespmem:$0x10100] =	vst v63  }
0x6e: {  	s1 =	simm.s32 $0xE900  }
0x6f: {  	[hbm4b:s4+s2] =	stream.indirect_vreg.scatter [tilespmem:s1], [sflag:$0x1], $0x80, v3, vm0, $0xb8;
	[tilespmem:$0x10100] =	vst v63  }
0x70: {  	s1 =	simm.s32 $0xF100  }
0x71: {  	[hbm4b:s5+s2] =	stream.indirect_vreg.scatter [tilespmem:s1], [sflag:$0x1], $0x80, v3, vm0, $0xb8;
	[tilespmem:$0x10100] =	vst v63  }
0x72: {  	s1 =	simm.s32 $0xF900  }
0x73: {  	[hbm4b:s6+s2] =	stream.indirect_vreg.scatter [tilespmem:s1], [sflag:$0x1], $0x80, v3, vm0, $0xb8;
	[tilespmem:$0x10100] =	vst v63  }
0x74: {  	_ =	swait.ge [sflag:s18], $0x10000  }
0x75: {  	[sflag:s18] =	ssyncset.done $0x0  }
0x76: {  	[sflag:s18] =	ssyncadd.s32 $0xFFFF0000  }
0x77: {  	v3 =	vld [tilespmem:$0x80];
	_ =	sdelay $0x4  }
0x78: {  	v60 =	vshll.u32 v3, $0x3  }
0x79: {  	v3 =	vand.u32 $0x7, v3;
	v4 =	vand.u32 $0xFFFFFFC0, v60  }
0x7a: {  	v3 =	vor.u32 v3, v4  }
0x7b: {  	v4 =	vperm.xlane v3, v0;
	_ =	sdelay $0x1  }
0x7c: {  	v4 =	vadd.s32 v1, v4;
	_ =	sdelay $0x4  }
0x7d: {  	[hbm4b:s3+s2] =	stream.indirect_vreg.scatter [tilespmem:s0], [sflag:$0x1], $0x80, v4, vm0, $0xb8;
	[tilespmem:$0x10100] =	vst v63  }
0x7e: {  	v3 =	vperm.xlane v3, v2  }
0x7f: {  	[hbm4b:s4+s2] =	stream.indirect_vreg.scatter [tilespmem:s19], [sflag:$0x1], $0x80, v4, vm0, $0xb8;
	[tilespmem:$0x10100] =	vst v63  }
0x80: {  	v3 =	vadd.s32 v1, v3  }
0x81: {  	[hbm4b:s5+s2] =	stream.indirect_vreg.scatter [tilespmem:s20], [sflag:$0x1], $0x80, v4, vm0, $0xb8;
	[tilespmem:$0x10100] =	vst v63  }
0x82: {  	_ = 	snop  }
0x83: {  	[hbm4b:s6+s2] =	stream.indirect_vreg.scatter [tilespmem:s21], [sflag:$0x1], $0x80, v4, vm0, $0xb8;
	[tilespmem:$0x10100] =	vst v63  }
0x84: {  	_ = 	snop  }
0x85: {  	[hbm4b:s3+s2] =	stream.indirect_vreg.scatter [tilespmem:s22], [sflag:$0x1], $0x80, v3, vm0, $0xb8;
	[tilespmem:$0x10100] =	vst v63  }
0x86: {  	_ = 	snop  }
0x87: {  	[hbm4b:s4+s2] =	stream.indirect_vreg.scatter [tilespmem:s23], [sflag:$0x1], $0x80, v3, vm0, $0xb8;
	[tilespmem:$0x10100] =	vst v63  }
0x88: {  	_ = 	snop  }
0x89: {  	[hbm4b:s5+s2] =	stream.indirect_vreg.scatter [tilespmem:s24], [sflag:$0x1], $0x80, v3, vm0, $0xb8;
	[tilespmem:$0x10100] =	vst v63  }
0x8a: {  	_ = 	snop  }
0x8b: {  	[hbm4b:s6+s2] =	stream.indirect_vreg.scatter [tilespmem:s25], [sflag:$0x1], $0x80, v3, vm0, $0xb8;
	[tilespmem:$0x10100] =	vst v63  }
0x8c: {  	v3 =	vld [tilespmem:$0x90];
	_ =	sdelay $0x4  }
0x8d: {  	v61 =	vshll.u32 v3, $0x3  }
0x8e: {  	v3 =	vand.u32 $0x7, v3;
	v4 =	vand.u32 $0xFFFFFFC0, v61  }
0x8f: {  	v3 =	vor.u32 v3, v4  }
0x90: {  	v4 =	vperm.xlane v3, v0;
	_ =	sdelay $0x1  }
0x91: {  	v4 =	vadd.s32 v1, v4;
	_ =	sdelay $0x4  }
0x92: {  	[hbm4b:s3+s2] =	stream.indirect_vreg.scatter [tilespmem:s26], [sflag:$0x1], $0x80, v4, vm0, $0xb8;
	[tilespmem:$0x10100] =	vst v63  }
0x93: {  	v3 =	vperm.xlane v3, v2  }
0x94: {  	[hbm4b:s4+s2] =	stream.indirect_vreg.scatter [tilespmem:s28], [sflag:$0x1], $0x80, v4, vm0, $0xb8;
	[tilespmem:$0x10100] =	vst v63  }
0x95: {  	v3 =	vadd.s32 v1, v3  }
0x96: {  	[hbm4b:s5+s2] =	stream.indirect_vreg.scatter [tilespmem:s29], [sflag:$0x1], $0x80, v4, vm0, $0xb8;
	[tilespmem:$0x10100] =	vst v63  }
0x97: {  	_ = 	snop  }
0x98: {  	[hbm4b:s6+s2] =	stream.indirect_vreg.scatter [tilespmem:s30], [sflag:$0x1], $0x80, v4, vm0, $0xb8;
	[tilespmem:$0x10100] =	vst v63  }
0x99: {  	_ = 	snop  }
0x9a: {  	[hbm4b:s3+s2] =	stream.indirect_vreg.scatter [tilespmem:s31], [sflag:$0x1], $0x80, v3, vm0, $0xb8;
	[tilespmem:$0x10100] =	vst v63  }
0x9b: {  	s20 =	simm.s32 $0x6900  }
0x9c: {  	[hbm4b:s4+s2] =	stream.indirect_vreg.scatter [tilespmem:s20], [sflag:$0x1], $0x80, v3, vm0, $0xb8;
	[tilespmem:$0x10100] =	vst v63  }
0x9d: {  	s19 =	simm.s32 $0x7100  }
0x9e: {  	[hbm4b:s5+s2] =	stream.indirect_vreg.scatter [tilespmem:s19], [sflag:$0x1], $0x80, v3, vm0, $0xb8;
	[tilespmem:$0x10100] =	vst v63  }
0x9f: {  	_ = 	snop  }
0xa0: {  	[hbm4b:s6+s2] =	stream.indirect_vreg.scatter [tilespmem:s10], [sflag:$0x1], $0x80, v3, vm0, $0xb8;
	[tilespmem:$0x10100] =	vst v63  }
0xa1: {  	v3 =	vld [tilespmem:$0xA0];
	_ =	sdelay $0x4  }
0xa2: {  	v62 =	vshll.u32 v3, $0x3  }
0xa3: {  	v3 =	vand.u32 $0x7, v3;
	v4 =	vand.u32 $0xFFFFFFC0, v62  }
0xa4: {  	v3 =	vor.u32 v3, v4  }
0xa5: {  	v4 =	vperm.xlane v3, v0;
	_ =	sdelay $0x1  }
0xa6: {  	v4 =	vadd.s32 v1, v4;
	_ =	sdelay $0x4  }
0xa7: {  	[hbm4b:s3+s2] =	stream.indirect_vreg.scatter [tilespmem:s11], [sflag:$0x1], $0x80, v4, vm0, $0xb8;
	[tilespmem:$0x10100] =	vst v63  }
0xa8: {  	v3 =	vperm.xlane v3, v2  }
0xa9: {  	[hbm4b:s4+s2] =	stream.indirect_vreg.scatter [tilespmem:s12], [sflag:$0x1], $0x80, v4, vm0, $0xb8;
	[tilespmem:$0x10100] =	vst v63  }
0xaa: {  	v3 =	vadd.s32 v1, v3  }
0xab: {  	[hbm4b:s5+s2] =	stream.indirect_vreg.scatter [tilespmem:s13], [sflag:$0x1], $0x80, v4, vm0, $0xb8;
	[tilespmem:$0x10100] =	vst v63  }
0xac: {  	_ = 	snop  }
0xad: {  	[hbm4b:s6+s2] =	stream.indirect_vreg.scatter [tilespmem:s14], [sflag:$0x1], $0x80, v4, vm0, $0xb8;
	[tilespmem:$0x10100] =	vst v63  }
0xae: {  	_ = 	snop  }
0xaf: {  	[hbm4b:s3+s2] =	stream.indirect_vreg.scatter [tilespmem:s15], [sflag:$0x1], $0x80, v3, vm0, $0xb8;
	[tilespmem:$0x10100] =	vst v63  }
0xb0: {  	_ = 	snop  }
0xb1: {  	[hbm4b:s4+s2] =	stream.indirect_vreg.scatter [tilespmem:s16], [sflag:$0x1], $0x80, v3, vm0, $0xb8;
	[tilespmem:$0x10100] =	vst v63  }
0xb2: {  	_ = 	snop  }
0xb3: {  	[hbm4b:s5+s2] =	stream.indirect_vreg.scatter [tilespmem:s17], [sflag:$0x1], $0x80, v3, vm0, $0xb8;
	[tilespmem:$0x10100] =	vst v63  }
0xb4: {  	_ = 	snop  }
0xb5: {  	[hbm4b:s6+s2] =	stream.indirect_vreg.scatter [tilespmem:s9], [sflag:$0x1], $0x80, v3, vm0, $0xb8;
	[tilespmem:$0x10100] =	vst v63  }
0xb6: {  	v3 =	vld [tilespmem:$0xB0];
	_ =	sdelay $0x4  }
0xb7: {  	v63 =	vshll.u32 v3, $0x3  }
0xb8: {  	v3 =	vand.u32 $0x7, v3;
	v4 =	vand.u32 $0xFFFFFFC0, v63  }
0xb9: {  	v3 =	vor.u32 v3, v4  }
0xba: {  	v4 =	vperm.xlane v3, v0;
	_ =	sdelay $0x1  }
0xbb: {  	v4 =	vadd.s32 v1, v4;
	_ =	sdelay $0x3  }
0xbc: {  	s20 =	simm.s32 $0xC100  }
0xbd: {  	[hbm4b:s3+s2] =	stream.indirect_vreg.scatter [tilespmem:s20], [sflag:$0x1], $0x80, v4, vm0, $0xb8;
	[tilespmem:$0x10100] =	vst v63  }
0xbe: {  	s9 =	simm.s32 $0xC900;
	v3 =	vperm.xlane v3, v2  }
0xbf: {  	[hbm4b:s4+s2] =	stream.indirect_vreg.scatter [tilespmem:s9], [sflag:$0x1], $0x80, v4, vm0, $0xb8;
	[tilespmem:$0x10100] =	vst v63  }
0xc0: {  	s19 =	simm.s32 $0xD100;
	v3 =	vadd.s32 v1, v3  }
0xc1: {  	[hbm4b:s5+s2] =	stream.indirect_vreg.scatter [tilespmem:s19], [sflag:$0x1], $0x80, v4, vm0, $0xb8;
	[tilespmem:$0x10100] =	vst v63  }
0xc2: {  	s20 =	simm.s32 $0xD900  }
0xc3: {  	[hbm4b:s6+s2] =	stream.indirect_vreg.scatter [tilespmem:s20], [sflag:$0x1], $0x80, v4, vm0, $0xb8;
	[tilespmem:$0x10100] =	vst v63  }
0xc4: {  	s9 =	simm.s32 $0xE100  }
0xc5: {  	[hbm4b:s3+s2] =	stream.indirect_vreg.scatter [tilespmem:s9], [sflag:$0x1], $0x80, v3, vm0, $0xb8;
	[tilespmem:$0x10100] =	vst v63  }
0xc6: {  	s19 =	simm.s32 $0xE900  }
0xc7: {  	[hbm4b:s4+s2] =	stream.indirect_vreg.scatter [tilespmem:s19], [sflag:$0x1], $0x80, v3, vm0, $0xb8;
	[tilespmem:$0x10100] =	vst v63  }
0xc8: {  	p0 =	sne.s32 s7, $0x1;
	s20 =	simm.s32 $0xF100  }
0xc9: {  	[hbm4b:s5+s2] =	stream.indirect_vreg.scatter [tilespmem:s20], [sflag:$0x1], $0x80, v3, vm0, $0xb8;
	[tilespmem:$0x10100] =	vst v63  }
.Ltmp0:
0xca: {  	_ = 	snop;
	(pc) =	sbr.rel @p0 .LBB2_1-.Ltmp0, $4  }
0xcb: {  	[hbm4b:s6+s2] =	stream.indirect_vreg.scatter [tilespmem:s1], [sflag:$0x1], $0x80, v3, vm0, $0xb8;
	[tilespmem:$0x10100] =	vst v63  }
0xcc: {  	_ =	swait.ge [sflag:s18], $0x10000  }
0xcd: {  	[sflag:s18] =	ssyncset.done $0x0  }
0xce: {  	s7 =	sadd.s32 $0xFFFFFFFF, s7;
	[sflag:s18] =	ssyncadd.s32 $0xFFFF0000  }
0xcf: {  	_ =	sfence.sel $0x180000  }
0xd0: {  	[bflag:$0x0] =	sbarrier.arrive $0xFFFF  }
0xd1: {  	_ =	strace $0x90000047  }
0xd2: {  	s0 =	stileid.u32;
	[bflag:$0x2] =	sbarrier.arrive $0xFFFF  }
0xd3: {  	p0 =	sne.s32 s0, $0x0;
	s0 =	rddreg [dreg:$0x2]  }
0xd4: {  	s0 =	sadd.s32 @!p0 $0x100000, s0  }
0xd5: {  	[sflag:s0] =	ssyncadd.tile.s32 @!p0 $0x1;
	_ =	shalt  }
.Lfunc_end2:
_tile_overlayer_lowered:
.L_overlay_start_2:
0xd6: {  	(tag) =	ssettag $0x2  }
0xd7: {  	s0 =	rddreg [dreg:$0x0];
	s2 =	stileid.u32  }
0xd8: {  	s1 =	rddreg [dreg:$0x1];
	p0 =	sne.s32 s2, $0x0  }
0xd9: {  	s3 =	rddreg [dreg:$0x2];
	[bflag:$0x3] =	sbarrier.arrive $0xFFFF;
	s2 =	simm.s32 @!p0 $0x1C02  }
0xda: {  	[timem:s3], [sflag:s2] =	dma.local @!p0 [hbm:s0], s1  }
0xdb: {  	s0 =	simm.s32 @!p0 $0x2  }
0xdc: {  	_ =	swait.ge @!p0 [sflag:s0], s1  }
0xdd: {  	s1 =	ssub.s32 @!p0 $0x0, s1;
	[sflag:s0] =	ssyncset.done @!p0 $0x0  }
0xde: {  	[sflag:s0] =	ssyncadd.s32 @!p0 s1  }
0xdf: {  	[bflag:$0x3] =	sbarrier.arrive $0xFFFF  }
0xe0: {  	_ =	shalt  }

</sc_bundles>
